<compile_context>
chip_gen: v7x
topology: tpu7x:2x2x1
jax: 0.10.2.dev20260603
libtpu: 0.0.44.dev20260713+nightly
codegen_flags: <defaults>
</compile_context>

<pallas_src>
import functools

import jax
import jax.numpy as jnp
from jax import lax
from jax.experimental import pallas as pl
from jax.experimental.pallas import tpu as pltpu
from jax.experimental.pallas import tpu_sc as plsc

NC = 2
NS = 16
L = 16
NW = NC * NS

GS = 128
CHUNK = 2048
NG = CHUNK // GS


@functools.partial(jax.jit, static_argnums=(4, 5))
def _sc_edge_scatter(xT, src2d, dst2d, w1d, out_f, ch_per_tile):
    in_f = xT.shape[0]
    rows_per_tile = out_f // NS

    mesh = plsc.VectorSubcoreMesh(
        core_axis_name="c", subcore_axis_name="s", num_cores=NC, num_subcores=NS
    )

    @functools.partial(
        pl.kernel,
        mesh=mesh,
        out_type=jax.ShapeDtypeStruct((NC, out_f, L), jnp.float32),
        scratch_types=[
            pltpu.VMEM((CHUNK, L), jnp.float32),
            pltpu.VMEM((NG, GS), jnp.int32),
            pltpu.VMEM((NG, GS), jnp.int32),
            pltpu.VMEM((CHUNK,), jnp.float32),
            pltpu.VMEM_SHARED((in_f, L), jnp.float32),
            pltpu.VMEM_SHARED((out_f, L), jnp.float32),
            pltpu.SemaphoreType.DMA,
            pltpu.SemaphoreType.DMA,
        ],
        compiler_params=pltpu.CompilerParams(use_tc_tiling_on_sc=False),
    )
    def sc_kernel(xT_hbm, src_hbm, dst_hbm, w_hbm, out_hbm,
                  cols_v, src_va, dst_va, w_va,
                  x_sh, acc_sh, sem_g, sem_s):
        cid = lax.axis_index("c")
        sid = lax.axis_index("s")
        wid = sid * NC + cid

        xrows = in_f // NS
        pltpu.sync_copy(xT_hbm.at[pl.ds(sid * xrows, xrows)],
                        x_sh.at[pl.ds(sid * xrows, xrows)])

        def zero_body(i, _):
            cols_v[i] = jnp.zeros((L,), jnp.float32)
            return 0
        lax.fori_loop(0, rows_per_tile, zero_body, 0, unroll=8)
        pltpu.sync_copy(cols_v.at[pl.ds(0, rows_per_tile)],
                        acc_sh.at[pl.ds(sid * rows_per_tile, rows_per_tile)])
        plsc.subcore_barrier()

        def chunk_body(k, _):
            row0 = (wid * ch_per_tile + k) * NG
            li = [pltpu.async_copy(src_hbm.at[pl.ds(row0, NG)], src_va,
                                   sem_s),
                  pltpu.async_copy(dst_hbm.at[pl.ds(row0, NG)], dst_va,
                                   sem_s),
                  pltpu.async_copy(w_hbm.at[pl.ds(row0 * GS, CHUNK)], w_va,
                                   sem_s)]
            for cp in li:
                cp.wait()

            cps = []
            for j in range(NG):
                cps.append(pltpu.async_copy(
                    x_sh.at[src_va.at[j]],
                    cols_v.at[pl.ds(j * GS, GS)], sem_g))
            for cp in cps:
                cp.wait()

            def edge_body(i2, _):
                base = i2 * L
                wv = w_va[pl.ds(base, L)]
                for j in range(L):
                    cols_v[base + j] = cols_v[base + j] * wv[j]
                return 0
            lax.fori_loop(0, CHUNK // L, edge_body, 0)

            scps = []
            for j in range(NG):
                scps.append(pltpu.async_copy(
                    cols_v.at[pl.ds(j * GS, GS)],
                    acc_sh.at[dst_va.at[j]], sem_s, add=True))
            for cp in scps:
                cp.wait()
            return 0
        lax.fori_loop(0, ch_per_tile, chunk_body, 0)

        plsc.subcore_barrier()
        pltpu.sync_copy(
            acc_sh.at[pl.ds(sid * rows_per_tile, rows_per_tile)],
            out_hbm.at[cid, pl.ds(sid * rows_per_tile, rows_per_tile)])

    return sc_kernel(xT, src2d, dst2d, w1d)


def _epilogue(p0, p1, bias2d, out_f, blk=2048):
    def body(p0_ref, p1_ref, b_ref, o_ref):
        rows = lax.broadcasted_iota(jnp.int32, (L, L), 0)
        cols = lax.broadcasted_iota(jnp.int32, (L, L), 1)
        eye = (rows == cols).astype(jnp.float32)
        s = p0_ref[...] + p1_ref[...]
        st = lax.dot_general(eye, s, (((1,), (1,)), ((), ())),
                             preferred_element_type=jnp.float32)
        o_ref[...] = jnp.tanh(st + b_ref[...])

    return pl.pallas_call(
        body,
        grid=(out_f // blk,),
        in_specs=[
            pl.BlockSpec((blk, L), lambda i: (i, 0)),
            pl.BlockSpec((blk, L), lambda i: (i, 0)),
            pl.BlockSpec((1, blk), lambda i: (0, i)),
        ],
        out_specs=pl.BlockSpec((L, blk), lambda i: (0, i)),
        out_shape=jax.ShapeDtypeStruct((L, out_f), jnp.float32),
    )(p0, p1, bias2d)


def kernel(x, weight, bias, src_idx, dst_idx):
    b, in_f = x.shape
    (out_f,) = bias.shape
    nnz = weight.shape[0]
    assert b == L

    echunk = NW * CHUNK
    ch_per_tile = -(-nnz // echunk)
    nnz_pad = ch_per_tile * echunk
    pad = nnz_pad - nnz
    src_p = jnp.concatenate([src_idx, jnp.zeros((pad,), jnp.int32)])
    dst_p = jnp.concatenate([dst_idx, jnp.zeros((pad,), jnp.int32)])
    w_p = jnp.concatenate([weight, jnp.zeros((pad,), jnp.float32)])

    xT = x.T
    partials = _sc_edge_scatter(xT, src_p.reshape(-1, GS),
                                dst_p.reshape(-1, GS), w_p, out_f, ch_per_tile)
    return _epilogue(partials[0], partials[1], bias.reshape(1, out_f), out_f)

# --- scband reference (transcript-rebuilt; emitter-appended) ---
"""Pipeline reference for scband-sparse-biological-layer-17016660427206 (READ-ONLY COPY).

The authoritative reference and input builder live on the scoring server;
editing this copy changes nothing except your own understanding.
"""

import jax, jax.numpy as jnp
import numpy as np

B = 16
IN_F = 16384
OUT_F = 16384
NNZ = 2684354  # 16384*16384*0.01


def setup_inputs(seed: int = 0) -> dict:
    key = jax.random.key(seed)
    k1, k2, k3, k4 = jax.random.split(key, 4)
    x = jax.random.normal(k1, (B, IN_F), dtype=jnp.float32)
    # sparse connectivity as edge lists (nonzeros of the binary connectivity_map)
    src_idx = jax.random.randint(k2, (NNZ,), 0, IN_F, dtype=jnp.int32)
    dst_idx = jax.random.randint(k3, (NNZ,), 0, OUT_F, dtype=jnp.int32)
    # LeCun uniform init with average fan-in = NNZ / OUT_F
    avg_fan_in = NNZ / OUT_F
    limit = (3.0 / avg_fan_in) ** 0.5
    weight = jax.random.uniform(k4, (NNZ,), minval=-limit, maxval=limit, dtype=jnp.float32)
    bias = jnp.zeros((OUT_F,), dtype=jnp.float32)
    return {"x": x, "weight": weight, "bias": bias, "src_idx": src_idx, "dst_idx": dst_idx}


def reference(x, weight, bias, src_idx, dst_idx):
    # gather inputs along feature dim per edge
    gathered_inputs = x[:, src_idx]                      # [B, NNZ]
    weighted_inputs = gathered_inputs * weight           # [B, NNZ]
    # scatter-add into output features (torch index_add_ on dim 1)
    output = jnp.zeros((x.shape[0], OUT_F), dtype=x.dtype)
    output = output.at[:, dst_idx].add(weighted_inputs)  # [B, OUT_F]
    output = output + bias
    output = jnp.tanh(output)
    # dropout = 0.0 -> identity
    return output

if __name__ == "__main__":
    import jax
    _d = setup_inputs()
    print(jax.jit(kernel)(*tuple(_d.values())))

</pallas_src>

<mosaic_0001>
#map = affine_map<(d0, d1) -> (0, 0)>
#map1 = affine_map<(d0, d1) -> (0)>
#map2 = affine_map<(d0, d1) -> (0, 0, 0)>
module attributes {stable_mosaic.version = 14 : i64} {
  func.func @sc_kernel(%arg0: i32, %arg1: i32, %arg2: memref<16384x16xf32, #tpu.memory_space<hbm>>, %arg3: memref<20992x128xi32, #tpu.memory_space<hbm>>, %arg4: memref<20992x128xi32, #tpu.memory_space<hbm>>, %arg5: memref<2686976xf32, #tpu.memory_space<hbm>>, %arg6: memref<2x16384x16xf32, #tpu.memory_space<hbm>>, %arg7: memref<2048x16xf32, #tpu.memory_space<vmem>>, %arg8: memref<16x128xi32, #tpu.memory_space<vmem>>, %arg9: memref<16x128xi32, #tpu.memory_space<vmem>>, %arg10: memref<2048xf32, #tpu.memory_space<vmem>>, %arg11: memref<16384x16xf32, #tpu.memory_space<vmem_shared>>, %arg12: memref<16384x16xf32, #tpu.memory_space<vmem_shared>>, %arg13: memref<!tpu.dma_semaphore, #tpu.memory_space<semaphore_mem>>, %arg14: memref<!tpu.dma_semaphore, #tpu.memory_space<semaphore_mem>>) attributes {dimension_semantics = [#tpu.dimension_semantics<core_parallel>, #tpu.dimension_semantics<subcore_parallel>], iteration_bounds = array<i64: 2, 16>, scalar_prefetch = 0 : i64, scratch_operands = 8 : i64, tpu.core_type = #tpu.core_type<sc_vector_subcore>, window_params = [{transform_indices = #map}, {transform_indices = #map}, {transform_indices = #map}, {transform_indices = #map1}, {transform_indices = #map2}]} {
    %mul3A = arith.constant 2 : i32
    %mul3A_0 = arith.muli %arg1, %mul3A : i32
    %add3A = arith.addi %mul3A_0, %arg0 : i32
    %mul3A_1 = arith.constant 1024 : i32
    %mul3A_2 = arith.muli %arg1, %mul3A_1 : i32
    %mul3A_3 = arith.constant 1024 : i32
    %mul3A_4 = arith.muli %arg1, %mul3A_3 : i32
    "tpu.region"() ({
      %run_scoped3A = tpu.sem_alloc : memref<!tpu.dma_semaphore, #tpu.memory_space<semaphore_mem>>
      %dma_start3A = arith.constant 0 : i32
      %dma_start3A_25 = tpu.memref_slice %arg11[%mul3A_4, %dma_start3A] : memref<16384x16xf32, #tpu.memory_space<vmem_shared>> -> memref<1024x16xf32, #tpu.memory_space<vmem_shared>>
      %dma_start3A_26 = arith.constant 0 : i32
      %dma_start3A_27 = tpu.memref_slice %arg2[%mul3A_2, %dma_start3A_26] : memref<16384x16xf32, #tpu.memory_space<hbm>> -> memref<1024x16xf32, #tpu.memory_space<hbm>>
      tpu.enqueue_dma source(%dma_start3A_27 : memref<1024x16xf32, #tpu.memory_space<hbm>>) target(%dma_start3A_25 : memref<1024x16xf32, #tpu.memory_space<vmem_shared>>) target_semaphore(%run_scoped3A : memref<!tpu.dma_semaphore, #tpu.memory_space<semaphore_mem>>)
      %dma_wait3A = arith.constant 0 : i32
      %dma_wait3A_28 = tpu.memref_slice %arg11[%mul3A_4, %dma_wait3A] : memref<16384x16xf32, #tpu.memory_space<vmem_shared>> -> memref<1024x16xf32, #tpu.memory_space<vmem_shared>>
      %dma_wait3A_29 = arith.constant 0 : i32
      %dma_wait3A_30 = tpu.memref_slice %arg2[%mul3A_2, %dma_wait3A_29] : memref<16384x16xf32, #tpu.memory_space<hbm>> -> memref<1024x16xf32, #tpu.memory_space<hbm>>
      tpu.wait_dma2 semaphore(%run_scoped3A : memref<!tpu.dma_semaphore, #tpu.memory_space<semaphore_mem>>) src(%dma_wait3A_30 : memref<1024x16xf32, #tpu.memory_space<hbm>>) dst(%dma_wait3A_28 : memref<1024x16xf32, #tpu.memory_space<vmem_shared>>)
      tpu.yield
    }) : () -> ()
    %scan3A = arith.constant 0 : i32
    %scan3A_5 = arith.constant 0 : i32
    %scan3A_6 = arith.constant 1024 : i32
    %scan3A_7 = arith.addi %scan3A_5, %scan3A_6 : i32
    %scan3A_8 = arith.constant 8 : i32
    %scan3A_9 = scf.for %scan3A_25 = %scan3A_5 to %scan3A_7 step %scan3A_8 iter_args(%scan3A_26 = %scan3A) -> (i32)  : i32 {
      %broadcast_in_dim3A = arith.constant 0.000000e+00 : f32
      %broadcast_in_dim3A_27 = vector.broadcast %broadcast_in_dim3A : f32 to vector<16xf32>
      %swap3A = arith.index_cast %scan3A_25 : i32 to index
      %swap3A_28 = arith.constant 0 : index
      %swap3A_29 = tpu.vector_load %arg7[%swap3A, %swap3A_28] {strides = array<i32>} : memref<2048x16xf32, #tpu.memory_space<vmem>>, vector<1x16xf32>,
      %swap3A_30 = vector.shape_cast %swap3A_29 : vector<1x16xf32> to vector<16xf32>
      %swap3A_31 = vector.shape_cast %broadcast_in_dim3A_27 : vector<16xf32> to vector<1x16xf32>
      tpu.vector_store %arg7[%swap3A, %swap3A_28], %swap3A_31 {strides = array<i32>} : memref<2048x16xf32, #tpu.memory_space<vmem>>, vector<1x16xf32>,
      %scan3A_32 = arith.constant 0 : i32
      %scan3A_33 = arith.constant 1 : i32
      %scan3A_34 = arith.addi %scan3A_25, %scan3A_33 : i32
      %broadcast_in_dim3A_35 = arith.constant 0.000000e+00 : f32
      %broadcast_in_dim3A_36 = vector.broadcast %broadcast_in_dim3A_35 : f32 to vector<16xf32>
      %swap3A_37 = arith.index_cast %scan3A_34 : i32 to index
      %swap3A_38 = arith.constant 0 : index
      %swap3A_39 = tpu.vector_load %arg7[%swap3A_37, %swap3A_38] {strides = array<i32>} : memref<2048x16xf32, #tpu.memory_space<vmem>>, vector<1x16xf32>,
      %swap3A_40 = vector.shape_cast %swap3A_39 : vector<1x16xf32> to vector<16xf32>
      %swap3A_41 = vector.shape_cast %broadcast_in_dim3A_36 : vector<16xf32> to vector<1x16xf32>
      tpu.vector_store %arg7[%swap3A_37, %swap3A_38], %swap3A_41 {strides = array<i32>} : memref<2048x16xf32, #tpu.memory_space<vmem>>, vector<1x16xf32>,
      %scan3A_42 = arith.constant 0 : i32
      %scan3A_43 = arith.constant 2 : i32
      %scan3A_44 = arith.addi %scan3A_25, %scan3A_43 : i32
      %broadcast_in_dim3A_45 = arith.constant 0.000000e+00 : f32
      %broadcast_in_dim3A_46 = vector.broadcast %broadcast_in_dim3A_45 : f32 to vector<16xf32>
      %swap3A_47 = arith.index_cast %scan3A_44 : i32 to index
      %swap3A_48 = arith.constant 0 : index
      %swap3A_49 = tpu.vector_load %arg7[%swap3A_47, %swap3A_48] {strides = array<i32>} : memref<2048x16xf32, #tpu.memory_space<vmem>>, vector<1x16xf32>,
      %swap3A_50 = vector.shape_cast %swap3A_49 : vector<1x16xf32> to vector<16xf32>
      %swap3A_51 = vector.shape_cast %broadcast_in_dim3A_46 : vector<16xf32> to vector<1x16xf32>
      tpu.vector_store %arg7[%swap3A_47, %swap3A_48], %swap3A_51 {strides = array<i32>} : memref<2048x16xf32, #tpu.memory_space<vmem>>, vector<1x16xf32>,
      %scan3A_52 = arith.constant 0 : i32
      %scan3A_53 = arith.constant 3 : i32
      %scan3A_54 = arith.addi %scan3A_25, %scan3A_53 : i32
      %broadcast_in_dim3A_55 = arith.constant 0.000000e+00 : f32
      %broadcast_in_dim3A_56 = vector.broadcast %broadcast_in_dim3A_55 : f32 to vector<16xf32>
      %swap3A_57 = arith.index_cast %scan3A_54 : i32 to index
      %swap3A_58 = arith.constant 0 : index
      %swap3A_59 = tpu.vector_load %arg7[%swap3A_57, %swap3A_58] {strides = array<i32>} : memref<2048x16xf32, #tpu.memory_space<vmem>>, vector<1x16xf32>,
      %swap3A_60 = vector.shape_cast %swap3A_59 : vector<1x16xf32> to vector<16xf32>
      %swap3A_61 = vector.shape_cast %broadcast_in_dim3A_56 : vector<16xf32> to vector<1x16xf32>
      tpu.vector_store %arg7[%swap3A_57, %swap3A_58], %swap3A_61 {strides = array<i32>} : memref<2048x16xf32, #tpu.memory_space<vmem>>, vector<1x16xf32>,
      %scan3A_62 = arith.constant 0 : i32
      %scan3A_63 = arith.constant 4 : i32
      %scan3A_64 = arith.addi %scan3A_25, %scan3A_63 : i32
      %broadcast_in_dim3A_65 = arith.constant 0.000000e+00 : f32
      %broadcast_in_dim3A_66 = vector.broadcast %broadcast_in_dim3A_65 : f32 to vector<16xf32>
      %swap3A_67 = arith.index_cast %scan3A_64 : i32 to index
      %swap3A_68 = arith.constant 0 : index
      %swap3A_69 = tpu.vector_load %arg7[%swap3A_67, %swap3A_68] {strides = array<i32>} : memref<2048x16xf32, #tpu.memory_space<vmem>>, vector<1x16xf32>,
      %swap3A_70 = vector.shape_cast %swap3A_69 : vector<1x16xf32> to vector<16xf32>
      %swap3A_71 = vector.shape_cast %broadcast_in_dim3A_66 : vector<16xf32> to vector<1x16xf32>
      tpu.vector_store %arg7[%swap3A_67, %swap3A_68], %swap3A_71 {strides = array<i32>} : memref<2048x16xf32, #tpu.memory_space<vmem>>, vector<1x16xf32>,
      %scan3A_72 = arith.constant 0 : i32
      %scan3A_73 = arith.constant 5 : i32
      %scan3A_74 = arith.addi %scan3A_25, %scan3A_73 : i32
      %broadcast_in_dim3A_75 = arith.constant 0.000000e+00 : f32
      %broadcast_in_dim3A_76 = vector.broadcast %broadcast_in_dim3A_75 : f32 to vector<16xf32>
      %swap3A_77 = arith.index_cast %scan3A_74 : i32 to index
      %swap3A_78 = arith.constant 0 : index
      %swap3A_79 = tpu.vector_load %arg7[%swap3A_77, %swap3A_78] {strides = array<i32>} : memref<2048x16xf32, #tpu.memory_space<vmem>>, vector<1x16xf32>,
      %swap3A_80 = vector.shape_cast %swap3A_79 : vector<1x16xf32> to vector<16xf32>
      %swap3A_81 = vector.shape_cast %broadcast_in_dim3A_76 : vector<16xf32> to vector<1x16xf32>
      tpu.vector_store %arg7[%swap3A_77, %swap3A_78], %swap3A_81 {strides = array<i32>} : memref<2048x16xf32, #tpu.memory_space<vmem>>, vector<1x16xf32>,
      %scan3A_82 = arith.constant 0 : i32
      %scan3A_83 = arith.constant 6 : i32
      %scan3A_84 = arith.addi %scan3A_25, %scan3A_83 : i32
      %broadcast_in_dim3A_85 = arith.constant 0.000000e+00 : f32
      %broadcast_in_dim3A_86 = vector.broadcast %broadcast_in_dim3A_85 : f32 to vector<16xf32>
      %swap3A_87 = arith.index_cast %scan3A_84 : i32 to index
      %swap3A_88 = arith.constant 0 : index
      %swap3A_89 = tpu.vector_load %arg7[%swap3A_87, %swap3A_88] {strides = array<i32>} : memref<2048x16xf32, #tpu.memory_space<vmem>>, vector<1x16xf32>,
      %swap3A_90 = vector.shape_cast %swap3A_89 : vector<1x16xf32> to vector<16xf32>
      %swap3A_91 = vector.shape_cast %broadcast_in_dim3A_86 : vector<16xf32> to vector<1x16xf32>
      tpu.vector_store %arg7[%swap3A_87, %swap3A_88], %swap3A_91 {strides = array<i32>} : memref<2048x16xf32, #tpu.memory_space<vmem>>, vector<1x16xf32>,
      %scan3A_92 = arith.constant 0 : i32
      %scan3A_93 = arith.constant 7 : i32
      %scan3A_94 = arith.addi %scan3A_25, %scan3A_93 : i32
      %broadcast_in_dim3A_95 = arith.constant 0.000000e+00 : f32
      %broadcast_in_dim3A_96 = vector.broadcast %broadcast_in_dim3A_95 : f32 to vector<16xf32>
      %swap3A_97 = arith.index_cast %scan3A_94 : i32 to index
      %swap3A_98 = arith.constant 0 : index
      %swap3A_99 = tpu.vector_load %arg7[%swap3A_97, %swap3A_98] {strides = array<i32>} : memref<2048x16xf32, #tpu.memory_space<vmem>>, vector<1x16xf32>,
      %swap3A_100 = vector.shape_cast %swap3A_99 : vector<1x16xf32> to vector<16xf32>
      %swap3A_101 = vector.shape_cast %broadcast_in_dim3A_96 : vector<16xf32> to vector<1x16xf32>
      tpu.vector_store %arg7[%swap3A_97, %swap3A_98], %swap3A_101 {strides = array<i32>} : memref<2048x16xf32, #tpu.memory_space<vmem>>, vector<1x16xf32>,
      %scan3A_102 = arith.constant 0 : i32
      scf.yield %scan3A_102 : i32
    }
    %scan3A_10 = arith.constant 1024 : i32
    %mul3A_11 = arith.constant 1024 : i32
    %mul3A_12 = arith.muli %arg1, %mul3A_11 : i32
    "tpu.region"() ({
      %run_scoped3A = tpu.sem_alloc : memref<!tpu.dma_semaphore, #tpu.memory_space<semaphore_mem>>
      %dma_start3A = arith.constant 0 : i32
      %dma_start3A_25 = arith.constant 0 : i32
      %dma_start3A_26 = tpu.memref_slice %arg7[%dma_start3A, %dma_start3A_25] : memref<2048x16xf32, #tpu.memory_space<vmem>> -> memref<1024x16xf32, #tpu.memory_space<vmem>>
      %dma_start3A_27 = arith.constant 0 : i32
      %dma_start3A_28 = tpu.memref_slice %arg12[%mul3A_12, %dma_start3A_27] : memref<16384x16xf32, #tpu.memory_space<vmem_shared>> -> memref<1024x16xf32, #tpu.memory_space<vmem_shared>>
      %dma_start3A_29 = arith.constant 0 : i32
      %dma_start3A_30 = tpu.memref_slice %arg12[%mul3A_12, %dma_start3A_29] : memref<16384x16xf32, #tpu.memory_space<vmem_shared>> -> memref<1024x16xf32, #tpu.memory_space<vmem_shared>>
      %dma_start3A_31 = arith.constant 0 : i32
      %dma_start3A_32 = arith.constant 0 : i32
      %dma_start3A_33 = tpu.memref_slice %arg7[%dma_start3A_31, %dma_start3A_32] : memref<2048x16xf32, #tpu.memory_space<vmem>> -> memref<1024x16xf32, #tpu.memory_space<vmem>>
      tpu.enqueue_dma source(%dma_start3A_33 : memref<1024x16xf32, #tpu.memory_space<vmem>>) target(%dma_start3A_30 : memref<1024x16xf32, #tpu.memory_space<vmem_shared>>) target_semaphore(%run_scoped3A : memref<!tpu.dma_semaphore, #tpu.memory_space<semaphore_mem>>)
      %dma_wait3A = arith.constant 0 : i32
      %dma_wait3A_34 = arith.constant 0 : i32
      %dma_wait3A_35 = tpu.memref_slice %arg7[%dma_wait3A, %dma_wait3A_34] : memref<2048x16xf32, #tpu.memory_space<vmem>> -> memref<1024x16xf32, #tpu.memory_space<vmem>>
      %dma_wait3A_36 = arith.constant 0 : i32
      %dma_wait3A_37 = tpu.memref_slice %arg12[%mul3A_12, %dma_wait3A_36] : memref<16384x16xf32, #tpu.memory_space<vmem_shared>> -> memref<1024x16xf32, #tpu.memory_space<vmem_shared>>
      %dma_wait3A_38 = arith.constant 0 : i32
      %dma_wait3A_39 = tpu.memref_slice %arg12[%mul3A_12, %dma_wait3A_38] : memref<16384x16xf32, #tpu.memory_space<vmem_shared>> -> memref<1024x16xf32, #tpu.memory_space<vmem_shared>>
      %dma_wait3A_40 = arith.constant 0 : i32
      %dma_wait3A_41 = arith.constant 0 : i32
      %dma_wait3A_42 = tpu.memref_slice %arg7[%dma_wait3A_40, %dma_wait3A_41] : memref<2048x16xf32, #tpu.memory_space<vmem>> -> memref<1024x16xf32, #tpu.memory_space<vmem>>
      tpu.wait_dma2 semaphore(%run_scoped3A : memref<!tpu.dma_semaphore, #tpu.memory_space<semaphore_mem>>) src(%dma_wait3A_42 : memref<1024x16xf32, #tpu.memory_space<vmem>>) dst(%dma_wait3A_39 : memref<1024x16xf32, #tpu.memory_space<vmem_shared>>)
      tpu.yield
    }) : () -> ()
    %barrier3A = arith.constant 0 : index
    tpu.barrier barrier_id(%barrier3A)
    %scan3A_13 = arith.constant 0 : i32
    %scan3A_14 = arith.constant 0 : i32
    %scan3A_15 = arith.constant 41 : i32
    %scan3A_16 = arith.addi %scan3A_14, %scan3A_15 : i32
    %scan3A_17 = arith.constant 1 : i32
    %scan3A_18 = scf.for %scan3A_25 = %scan3A_14 to %scan3A_16 step %scan3A_17 iter_args(%scan3A_26 = %scan3A_13) -> (i32)  : i32 {
      %mul3A_27 = arith.constant 41 : i32
      %mul3A_28 = arith.muli %add3A, %mul3A_27 : i32
      %add3A_29 = arith.addi %mul3A_28, %scan3A_25 : i32
      %mul3A_30 = arith.constant 16 : i32
      %mul3A_31 = arith.muli %add3A_29, %mul3A_30 : i32
      %dma_start3A = arith.constant 0 : i32
      %dma_start3A_32 = tpu.memref_slice %arg3[%mul3A_31, %dma_start3A] : memref<20992x128xi32, #tpu.memory_space<hbm>> -> memref<16x128xi32, #tpu.memory_space<hbm>>
      %dma_start3A_33 = arith.constant 0 : i32
      %dma_start3A_34 = tpu.memref_slice %arg3[%mul3A_31, %dma_start3A_33] : memref<20992x128xi32, #tpu.memory_space<hbm>> -> memref<16x128xi32, #tpu.memory_space<hbm>>
      tpu.enqueue_dma source(%dma_start3A_34 : memref<16x128xi32, #tpu.memory_space<hbm>>) target(%arg8 : memref<16x128xi32, #tpu.memory_space<vmem>>) target_semaphore(%arg14 : memref<!tpu.dma_semaphore, #tpu.memory_space<semaphore_mem>>)
      %dma_start3A_35 = arith.constant 0 : i32
      %dma_start3A_36 = tpu.memref_slice %arg4[%mul3A_31, %dma_start3A_35] : memref<20992x128xi32, #tpu.memory_space<hbm>> -> memref<16x128xi32, #tpu.memory_space<hbm>>
      %dma_start3A_37 = arith.constant 0 : i32
      %dma_start3A_38 = tpu.memref_slice %arg4[%mul3A_31, %dma_start3A_37] : memref<20992x128xi32, #tpu.memory_space<hbm>> -> memref<16x128xi32, #tpu.memory_space<hbm>>
      tpu.enqueue_dma source(%dma_start3A_38 : memref<16x128xi32, #tpu.memory_space<hbm>>) target(%arg9 : memref<16x128xi32, #tpu.memory_space<vmem>>) target_semaphore(%arg14 : memref<!tpu.dma_semaphore, #tpu.memory_space<semaphore_mem>>)
      %mul3A_39 = arith.constant 128 : i32
      %mul3A_40 = arith.muli %mul3A_31, %mul3A_39 : i32
      %dma_start3A_41 = tpu.memref_slice %arg5[%mul3A_40] : memref<2686976xf32, #tpu.memory_space<hbm>> -> memref<2048xf32, #tpu.memory_space<hbm>>
      %dma_start3A_42 = tpu.memref_slice %arg5[%mul3A_40] : memref<2686976xf32, #tpu.memory_space<hbm>> -> memref<2048xf32, #tpu.memory_space<hbm>>
      tpu.enqueue_dma source(%dma_start3A_42 : memref<2048xf32, #tpu.memory_space<hbm>>) target(%arg10 : memref<2048xf32, #tpu.memory_space<vmem>>) target_semaphore(%arg14 : memref<!tpu.dma_semaphore, #tpu.memory_space<semaphore_mem>>)
      %dma_wait3A = arith.constant 0 : i32
      %dma_wait3A_43 = tpu.memref_slice %arg3[%mul3A_31, %dma_wait3A] : memref<20992x128xi32, #tpu.memory_space<hbm>> -> memref<16x128xi32, #tpu.memory_space<hbm>>
      %dma_wait3A_44 = arith.constant 0 : i32
      %dma_wait3A_45 = tpu.memref_slice %arg3[%mul3A_31, %dma_wait3A_44] : memref<20992x128xi32, #tpu.memory_space<hbm>> -> memref<16x128xi32, #tpu.memory_space<hbm>>
      tpu.wait_dma2 semaphore(%arg14 : memref<!tpu.dma_semaphore, #tpu.memory_space<semaphore_mem>>) src(%dma_wait3A_45 : memref<16x128xi32, #tpu.memory_space<hbm>>) dst(%arg8 : memref<16x128xi32, #tpu.memory_space<vmem>>)
      %dma_wait3A_46 = arith.constant 0 : i32
      %dma_wait3A_47 = tpu.memref_slice %arg4[%mul3A_31, %dma_wait3A_46] : memref<20992x128xi32, #tpu.memory_space<hbm>> -> memref<16x128xi32, #tpu.memory_space<hbm>>
      %dma_wait3A_48 = arith.constant 0 : i32
      %dma_wait3A_49 = tpu.memref_slice %arg4[%mul3A_31, %dma_wait3A_48] : memref<20992x128xi32, #tpu.memory_space<hbm>> -> memref<16x128xi32, #tpu.memory_space<hbm>>
      tpu.wait_dma2 semaphore(%arg14 : memref<!tpu.dma_semaphore, #tpu.memory_space<semaphore_mem>>) src(%dma_wait3A_49 : memref<16x128xi32, #tpu.memory_space<hbm>>) dst(%arg9 : memref<16x128xi32, #tpu.memory_space<vmem>>)
      %dma_wait3A_50 = tpu.memref_slice %arg5[%mul3A_40] : memref<2686976xf32, #tpu.memory_space<hbm>> -> memref<2048xf32, #tpu.memory_space<hbm>>
      %dma_wait3A_51 = tpu.memref_slice %arg5[%mul3A_40] : memref<2686976xf32, #tpu.memory_space<hbm>> -> memref<2048xf32, #tpu.memory_space<hbm>>
      tpu.wait_dma2 semaphore(%arg14 : memref<!tpu.dma_semaphore, #tpu.memory_space<semaphore_mem>>) src(%dma_wait3A_51 : memref<2048xf32, #tpu.memory_space<hbm>>) dst(%arg10 : memref<2048xf32, #tpu.memory_space<vmem>>)
      %dma_start3A_52 = arith.constant 0 : i32
      %dma_start3A_53 = arith.constant 0 : i32
      %dma_start3A_54 = arith.constant 0 : i32
      %dma_start3A_55 = tpu.memref_slice %arg7[%dma_start3A_53, %dma_start3A_54] : memref<2048x16xf32, #tpu.memory_space<vmem>> -> memref<128x16xf32, #tpu.memory_space<vmem>>
      %dma_start3A_56 = arith.constant 0 : i32
      %dma_start3A_57 = tpu.memref_slice %arg8[%dma_start3A_52, %dma_start3A_56] : memref<16x128xi32, #tpu.memory_space<vmem>> -> memref<1x128xi32, #tpu.memory_space<vmem>>
      %dma_start3A_58 = tpu.memref_squeeze %dma_start3A_57 : memref<1x128xi32, #tpu.memory_space<vmem>> -> memref<128xi32, #tpu.memory_space<vmem>>
      %dma_start3A_59 = arith.constant 0 : i32
      %dma_start3A_60 = arith.constant 0 : i32
      %dma_start3A_61 = tpu.memref_slice %arg11[%dma_start3A_59, %dma_start3A_60] : memref<16384x16xf32, #tpu.memory_space<vmem_shared>> -> memref<16384x16xf32, #tpu.memory_space<vmem_shared>>
      tpu.enqueue_indirect_dma source(%dma_start3A_61 : memref<16384x16xf32, #tpu.memory_space<vmem_shared>>) target(%dma_start3A_55 : memref<128x16xf32, #tpu.memory_space<vmem>>) offsets(%dma_start3A_58 : memref<128xi32, #tpu.memory_space<vmem>>) semaphore(%arg13 : memref<!tpu.dma_semaphore, #tpu.memory_space<semaphore_mem>>)
      %dma_start3A_62 = arith.constant 1 : i32
      %dma_start3A_63 = arith.constant 128 : i32
      %dma_start3A_64 = arith.constant 0 : i32
      %dma_start3A_65 = tpu.memref_slice %arg7[%dma_start3A_63, %dma_start3A_64] : memref<2048x16xf32, #tpu.memory_space<vmem>> -> memref<128x16xf32, #tpu.memory_space<vmem>>
      %dma_start3A_66 = arith.constant 0 : i32
      %dma_start3A_67 = tpu.memref_slice %arg8[%dma_start3A_62, %dma_start3A_66] : memref<16x128xi32, #tpu.memory_space<vmem>> -> memref<1x128xi32, #tpu.memory_space<vmem>>
      %dma_start3A_68 = tpu.memref_squeeze %dma_start3A_67 : memref<1x128xi32, #tpu.memory_space<vmem>> -> memref<128xi32, #tpu.memory_space<vmem>>
      %dma_start3A_69 = arith.constant 0 : i32
      %dma_start3A_70 = arith.constant 0 : i32
      %dma_start3A_71 = tpu.memref_slice %arg11[%dma_start3A_69, %dma_start3A_70] : memref<16384x16xf32, #tpu.memory_space<vmem_shared>> -> memref<16384x16xf32, #tpu.memory_space<vmem_shared>>
      tpu.enqueue_indirect_dma source(%dma_start3A_71 : memref<16384x16xf32, #tpu.memory_space<vmem_shared>>) target(%dma_start3A_65 : memref<128x16xf32, #tpu.memory_space<vmem>>) offsets(%dma_start3A_68 : memref<128xi32, #tpu.memory_space<vmem>>) semaphore(%arg13 : memref<!tpu.dma_semaphore, #tpu.memory_space<semaphore_mem>>)
      %dma_start3A_72 = arith.constant 2 : i32
      %dma_start3A_73 = arith.constant 256 : i32
      %dma_start3A_74 = arith.constant 0 : i32
      %dma_start3A_75 = tpu.memref_slice %arg7[%dma_start3A_73, %dma_start3A_74] : memref<2048x16xf32, #tpu.memory_space<vmem>> -> memref<128x16xf32, #tpu.memory_space<vmem>>
      %dma_start3A_76 = arith.constant 0 : i32
      %dma_start3A_77 = tpu.memref_slice %arg8[%dma_start3A_72, %dma_start3A_76] : memref<16x128xi32, #tpu.memory_space<vmem>> -> memref<1x128xi32, #tpu.memory_space<vmem>>
      %dma_start3A_78 = tpu.memref_squeeze %dma_start3A_77 : memref<1x128xi32, #tpu.memory_space<vmem>> -> memref<128xi32, #tpu.memory_space<vmem>>
      %dma_start3A_79 = arith.constant 0 : i32
      %dma_start3A_80 = arith.constant 0 : i32
      %dma_start3A_81 = tpu.memref_slice %arg11[%dma_start3A_79, %dma_start3A_80] : memref<16384x16xf32, #tpu.memory_space<vmem_shared>> -> memref<16384x16xf32, #tpu.memory_space<vmem_shared>>
      tpu.enqueue_indirect_dma source(%dma_start3A_81 : memref<16384x16xf32, #tpu.memory_space<vmem_shared>>) target(%dma_start3A_75 : memref<128x16xf32, #tpu.memory_space<vmem>>) offsets(%dma_start3A_78 : memref<128xi32, #tpu.memory_space<vmem>>) semaphore(%arg13 : memref<!tpu.dma_semaphore, #tpu.memory_space<semaphore_mem>>)
      %dma_start3A_82 = arith.constant 3 : i32
      %dma_start3A_83 = arith.constant 384 : i32
      %dma_start3A_84 = arith.constant 0 : i32
      %dma_start3A_85 = tpu.memref_slice %arg7[%dma_start3A_83, %dma_start3A_84] : memref<2048x16xf32, #tpu.memory_space<vmem>> -> memref<128x16xf32, #tpu.memory_space<vmem>>
      %dma_start3A_86 = arith.constant 0 : i32
      %dma_start3A_87 = tpu.memref_slice %arg8[%dma_start3A_82, %dma_start3A_86] : memref<16x128xi32, #tpu.memory_space<vmem>> -> memref<1x128xi32, #tpu.memory_space<vmem>>
      %dma_start3A_88 = tpu.memref_squeeze %dma_start3A_87 : memref<1x128xi32, #tpu.memory_space<vmem>> -> memref<128xi32, #tpu.memory_space<vmem>>
      %dma_start3A_89 = arith.constant 0 : i32
      %dma_start3A_90 = arith.constant 0 : i32
      %dma_start3A_91 = tpu.memref_slice %arg11[%dma_start3A_89, %dma_start3A_90] : memref<16384x16xf32, #tpu.memory_space<vmem_shared>> -> memref<16384x16xf32, #tpu.memory_space<vmem_shared>>
      tpu.enqueue_indirect_dma source(%dma_start3A_91 : memref<16384x16xf32, #tpu.memory_space<vmem_shared>>) target(%dma_start3A_85 : memref<128x16xf32, #tpu.memory_space<vmem>>) offsets(%dma_start3A_88 : memref<128xi32, #tpu.memory_space<vmem>>) semaphore(%arg13 : memref<!tpu.dma_semaphore, #tpu.memory_space<semaphore_mem>>)
      %dma_start3A_92 = arith.constant 4 : i32
      %dma_start3A_93 = arith.constant 512 : i32
      %dma_start3A_94 = arith.constant 0 : i32
      %dma_start3A_95 = tpu.memref_slice %arg7[%dma_start3A_93, %dma_start3A_94] : memref<2048x16xf32, #tpu.memory_space<vmem>> -> memref<128x16xf32, #tpu.memory_space<vmem>>
      %dma_start3A_96 = arith.constant 0 : i32
      %dma_start3A_97 = tpu.memref_slice %arg8[%dma_start3A_92, %dma_start3A_96] : memref<16x128xi32, #tpu.memory_space<vmem>> -> memref<1x128xi32, #tpu.memory_space<vmem>>
      %dma_start3A_98 = tpu.memref_squeeze %dma_start3A_97 : memref<1x128xi32, #tpu.memory_space<vmem>> -> memref<128xi32, #tpu.memory_space<vmem>>
      %dma_start3A_99 = arith.constant 0 : i32
      %dma_start3A_100 = arith.constant 0 : i32
      %dma_start3A_101 = tpu.memref_slice %arg11[%dma_start3A_99, %dma_start3A_100] : memref<16384x16xf32, #tpu.memory_space<vmem_shared>> -> memref<16384x16xf32, #tpu.memory_space<vmem_shared>>
      tpu.enqueue_indirect_dma source(%dma_start3A_101 : memref<16384x16xf32, #tpu.memory_space<vmem_shared>>) target(%dma_start3A_95 : memref<128x16xf32, #tpu.memory_space<vmem>>) offsets(%dma_start3A_98 : memref<128xi32, #tpu.memory_space<vmem>>) semaphore(%arg13 : memref<!tpu.dma_semaphore, #tpu.memory_space<semaphore_mem>>)
      %dma_start3A_102 = arith.constant 5 : i32
      %dma_start3A_103 = arith.constant 640 : i32
      %dma_start3A_104 = arith.constant 0 : i32
      %dma_start3A_105 = tpu.memref_slice %arg7[%dma_start3A_103, %dma_start3A_104] : memref<2048x16xf32, #tpu.memory_space<vmem>> -> memref<128x16xf32, #tpu.memory_space<vmem>>
      %dma_start3A_106 = arith.constant 0 : i32
      %dma_start3A_107 = tpu.memref_slice %arg8[%dma_start3A_102, %dma_start3A_106] : memref<16x128xi32, #tpu.memory_space<vmem>> -> memref<1x128xi32, #tpu.memory_space<vmem>>
      %dma_start3A_108 = tpu.memref_squeeze %dma_start3A_107 : memref<1x128xi32, #tpu.memory_space<vmem>> -> memref<128xi32, #tpu.memory_space<vmem>>
      %dma_start3A_109 = arith.constant 0 : i32
      %dma_start3A_110 = arith.constant 0 : i32
      %dma_start3A_111 = tpu.memref_slice %arg11[%dma_start3A_109, %dma_start3A_110] : memref<16384x16xf32, #tpu.memory_space<vmem_shared>> -> memref<16384x16xf32, #tpu.memory_space<vmem_shared>>
      tpu.enqueue_indirect_dma source(%dma_start3A_111 : memref<16384x16xf32, #tpu.memory_space<vmem_shared>>) target(%dma_start3A_105 : memref<128x16xf32, #tpu.memory_space<vmem>>) offsets(%dma_start3A_108 : memref<128xi32, #tpu.memory_space<vmem>>) semaphore(%arg13 : memref<!tpu.dma_semaphore, #tpu.memory_space<semaphore_mem>>)
      %dma_start3A_112 = arith.constant 6 : i32
      %dma_start3A_113 = arith.constant 768 : i32
      %dma_start3A_114 = arith.constant 0 : i32
      %dma_start3A_115 = tpu.memref_slice %arg7[%dma_start3A_113, %dma_start3A_114] : memref<2048x16xf32, #tpu.memory_space<vmem>> -> memref<128x16xf32, #tpu.memory_space<vmem>>
      %dma_start3A_116 = arith.constant 0 : i32
      %dma_start3A_117 = tpu.memref_slice %arg8[%dma_start3A_112, %dma_start3A_116] : memref<16x128xi32, #tpu.memory_space<vmem>> -> memref<1x128xi32, #tpu.memory_space<vmem>>
      %dma_start3A_118 = tpu.memref_squeeze %dma_start3A_117 : memref<1x128xi32, #tpu.memory_space<vmem>> -> memref<128xi32, #tpu.memory_space<vmem>>
      %dma_start3A_119 = arith.constant 0 : i32
      %dma_start3A_120 = arith.constant 0 : i32
      %dma_start3A_121 = tpu.memref_slice %arg11[%dma_start3A_119, %dma_start3A_120] : memref<16384x16xf32, #tpu.memory_space<vmem_shared>> -> memref<16384x16xf32, #tpu.memory_space<vmem_shared>>
      tpu.enqueue_indirect_dma source(%dma_start3A_121 : memref<16384x16xf32, #tpu.memory_space<vmem_shared>>) target(%dma_start3A_115 : memref<128x16xf32, #tpu.memory_space<vmem>>) offsets(%dma_start3A_118 : memref<128xi32, #tpu.memory_space<vmem>>) semaphore(%arg13 : memref<!tpu.dma_semaphore, #tpu.memory_space<semaphore_mem>>)
      %dma_start3A_122 = arith.constant 7 : i32
      %dma_start3A_123 = arith.constant 896 : i32
      %dma_start3A_124 = arith.constant 0 : i32
      %dma_start3A_125 = tpu.memref_slice %arg7[%dma_start3A_123, %dma_start3A_124] : memref<2048x16xf32, #tpu.memory_space<vmem>> -> memref<128x16xf32, #tpu.memory_space<vmem>>
      %dma_start3A_126 = arith.constant 0 : i32
      %dma_start3A_127 = tpu.memref_slice %arg8[%dma_start3A_122, %dma_start3A_126] : memref<16x128xi32, #tpu.memory_space<vmem>> -> memref<1x128xi32, #tpu.memory_space<vmem>>
      %dma_start3A_128 = tpu.memref_squeeze %dma_start3A_127 : memref<1x128xi32, #tpu.memory_space<vmem>> -> memref<128xi32, #tpu.memory_space<vmem>>
      %dma_start3A_129 = arith.constant 0 : i32
      %dma_start3A_130 = arith.constant 0 : i32
      %dma_start3A_131 = tpu.memref_slice %arg11[%dma_start3A_129, %dma_start3A_130] : memref<16384x16xf32, #tpu.memory_space<vmem_shared>> -> memref<16384x16xf32, #tpu.memory_space<vmem_shared>>
      tpu.enqueue_indirect_dma source(%dma_start3A_131 : memref<16384x16xf32, #tpu.memory_space<vmem_shared>>) target(%dma_start3A_125 : memref<128x16xf32, #tpu.memory_space<vmem>>) offsets(%dma_start3A_128 : memref<128xi32, #tpu.memory_space<vmem>>) semaphore(%arg13 : memref<!tpu.dma_semaphore, #tpu.memory_space<semaphore_mem>>)
      %dma_start3A_132 = arith.constant 8 : i32
      %dma_start3A_133 = arith.constant 1024 : i32
      %dma_start3A_134 = arith.constant 0 : i32
      %dma_start3A_135 = tpu.memref_slice %arg7[%dma_start3A_133, %dma_start3A_134] : memref<2048x16xf32, #tpu.memory_space<vmem>> -> memref<128x16xf32, #tpu.memory_space<vmem>>
      %dma_start3A_136 = arith.constant 0 : i32
      %dma_start3A_137 = tpu.memref_slice %arg8[%dma_start3A_132, %dma_start3A_136] : memref<16x128xi32, #tpu.memory_space<vmem>> -> memref<1x128xi32, #tpu.memory_space<vmem>>
      %dma_start3A_138 = tpu.memref_squeeze %dma_start3A_137 : memref<1x128xi32, #tpu.memory_space<vmem>> -> memref<128xi32, #tpu.memory_space<vmem>>
      %dma_start3A_139 = arith.constant 0 : i32
      %dma_start3A_140 = arith.constant 0 : i32
      %dma_start3A_141 = tpu.memref_slice %arg11[%dma_start3A_139, %dma_start3A_140] : memref<16384x16xf32, #tpu.memory_space<vmem_shared>> -> memref<16384x16xf32, #tpu.memory_space<vmem_shared>>
      tpu.enqueue_indirect_dma source(%dma_start3A_141 : memref<16384x16xf32, #tpu.memory_space<vmem_shared>>) target(%dma_start3A_135 : memref<128x16xf32, #tpu.memory_space<vmem>>) offsets(%dma_start3A_138 : memref<128xi32, #tpu.memory_space<vmem>>) semaphore(%arg13 : memref<!tpu.dma_semaphore, #tpu.memory_space<semaphore_mem>>)
      %dma_start3A_142 = arith.constant 9 : i32
      %dma_start3A_143 = arith.constant 1152 : i32
      %dma_start3A_144 = arith.constant 0 : i32
      %dma_start3A_145 = tpu.memref_slice %arg7[%dma_start3A_143, %dma_start3A_144] : memref<2048x16xf32, #tpu.memory_space<vmem>> -> memref<128x16xf32, #tpu.memory_space<vmem>>
      %dma_start3A_146 = arith.constant 0 : i32
      %dma_start3A_147 = tpu.memref_slice %arg8[%dma_start3A_142, %dma_start3A_146] : memref<16x128xi32, #tpu.memory_space<vmem>> -> memref<1x128xi32, #tpu.memory_space<vmem>>
      %dma_start3A_148 = tpu.memref_squeeze %dma_start3A_147 : memref<1x128xi32, #tpu.memory_space<vmem>> -> memref<128xi32, #tpu.memory_space<vmem>>
      %dma_start3A_149 = arith.constant 0 : i32
      %dma_start3A_150 = arith.constant 0 : i32
      %dma_start3A_151 = tpu.memref_slice %arg11[%dma_start3A_149, %dma_start3A_150] : memref<16384x16xf32, #tpu.memory_space<vmem_shared>> -> memref<16384x16xf32, #tpu.memory_space<vmem_shared>>
      tpu.enqueue_indirect_dma source(%dma_start3A_151 : memref<16384x16xf32, #tpu.memory_space<vmem_shared>>) target(%dma_start3A_145 : memref<128x16xf32, #tpu.memory_space<vmem>>) offsets(%dma_start3A_148 : memref<128xi32, #tpu.memory_space<vmem>>) semaphore(%arg13 : memref<!tpu.dma_semaphore, #tpu.memory_space<semaphore_mem>>)
      %dma_start3A_152 = arith.constant 10 : i32
      %dma_start3A_153 = arith.constant 1280 : i32
      %dma_start3A_154 = arith.constant 0 : i32
      %dma_start3A_155 = tpu.memref_slice %arg7[%dma_start3A_153, %dma_start3A_154] : memref<2048x16xf32, #tpu.memory_space<vmem>> -> memref<128x16xf32, #tpu.memory_space<vmem>>
      %dma_start3A_156 = arith.constant 0 : i32
      %dma_start3A_157 = tpu.memref_slice %arg8[%dma_start3A_152, %dma_start3A_156] : memref<16x128xi32, #tpu.memory_space<vmem>> -> memref<1x128xi32, #tpu.memory_space<vmem>>
      %dma_start3A_158 = tpu.memref_squeeze %dma_start3A_157 : memref<1x128xi32, #tpu.memory_space<vmem>> -> memref<128xi32, #tpu.memory_space<vmem>>
      %dma_start3A_159 = arith.constant 0 : i32
      %dma_start3A_160 = arith.constant 0 : i32
      %dma_start3A_161 = tpu.memref_slice %arg11[%dma_start3A_159, %dma_start3A_160] : memref<16384x16xf32, #tpu.memory_space<vmem_shared>> -> memref<16384x16xf32, #tpu.memory_space<vmem_shared>>
      tpu.enqueue_indirect_dma source(%dma_start3A_161 : memref<16384x16xf32, #tpu.memory_space<vmem_shared>>) target(%dma_start3A_155 : memref<128x16xf32, #tpu.memory_space<vmem>>) offsets(%dma_start3A_158 : memref<128xi32, #tpu.memory_space<vmem>>) semaphore(%arg13 : memref<!tpu.dma_semaphore, #tpu.memory_space<semaphore_mem>>)
      %dma_start3A_162 = arith.constant 11 : i32
      %dma_start3A_163 = arith.constant 1408 : i32
      %dma_start3A_164 = arith.constant 0 : i32
      %dma_start3A_165 = tpu.memref_slice %arg7[%dma_start3A_163, %dma_start3A_164] : memref<2048x16xf32, #tpu.memory_space<vmem>> -> memref<128x16xf32, #tpu.memory_space<vmem>>
      %dma_start3A_166 = arith.constant 0 : i32
      %dma_start3A_167 = tpu.memref_slice %arg8[%dma_start3A_162, %dma_start3A_166] : memref<16x128xi32, #tpu.memory_space<vmem>> -> memref<1x128xi32, #tpu.memory_space<vmem>>
      %dma_start3A_168 = tpu.memref_squeeze %dma_start3A_167 : memref<1x128xi32, #tpu.memory_space<vmem>> -> memref<128xi32, #tpu.memory_space<vmem>>
      %dma_start3A_169 = arith.constant 0 : i32
      %dma_start3A_170 = arith.constant 0 : i32
      %dma_start3A_171 = tpu.memref_slice %arg11[%dma_start3A_169, %dma_start3A_170] : memref<16384x16xf32, #tpu.memory_space<vmem_shared>> -> memref<16384x16xf32, #tpu.memory_space<vmem_shared>>
      tpu.enqueue_indirect_dma source(%dma_start3A_171 : memref<16384x16xf32, #tpu.memory_space<vmem_shared>>) target(%dma_start3A_165 : memref<128x16xf32, #tpu.memory_space<vmem>>) offsets(%dma_start3A_168 : memref<128xi32, #tpu.memory_space<vmem>>) semaphore(%arg13 : memref<!tpu.dma_semaphore, #tpu.memory_space<semaphore_mem>>)
      %dma_start3A_172 = arith.constant 12 : i32
      %dma_start3A_173 = arith.constant 1536 : i32
      %dma_start3A_174 = arith.constant 0 : i32
      %dma_start3A_175 = tpu.memref_slice %arg7[%dma_start3A_173, %dma_start3A_174] : memref<2048x16xf32, #tpu.memory_space<vmem>> -> memref<128x16xf32, #tpu.memory_space<vmem>>
      %dma_start3A_176 = arith.constant 0 : i32
      %dma_start3A_177 = tpu.memref_slice %arg8[%dma_start3A_172, %dma_start3A_176] : memref<16x128xi32, #tpu.memory_space<vmem>> -> memref<1x128xi32, #tpu.memory_space<vmem>>
      %dma_start3A_178 = tpu.memref_squeeze %dma_start3A_177 : memref<1x128xi32, #tpu.memory_space<vmem>> -> memref<128xi32, #tpu.memory_space<vmem>>
      %dma_start3A_179 = arith.constant 0 : i32
      %dma_start3A_180 = arith.constant 0 : i32
      %dma_start3A_181 = tpu.memref_slice %arg11[%dma_start3A_179, %dma_start3A_180] : memref<16384x16xf32, #tpu.memory_space<vmem_shared>> -> memref<16384x16xf32, #tpu.memory_space<vmem_shared>>
      tpu.enqueue_indirect_dma source(%dma_start3A_181 : memref<16384x16xf32, #tpu.memory_space<vmem_shared>>) target(%dma_start3A_175 : memref<128x16xf32, #tpu.memory_space<vmem>>) offsets(%dma_start3A_178 : memref<128xi32, #tpu.memory_space<vmem>>) semaphore(%arg13 : memref<!tpu.dma_semaphore, #tpu.memory_space<semaphore_mem>>)
      %dma_start3A_182 = arith.constant 13 : i32
      %dma_start3A_183 = arith.constant 1664 : i32
      %dma_start3A_184 = arith.constant 0 : i32
      %dma_start3A_185 = tpu.memref_slice %arg7[%dma_start3A_183, %dma_start3A_184] : memref<2048x16xf32, #tpu.memory_space<vmem>> -> memref<128x16xf32, #tpu.memory_space<vmem>>
      %dma_start3A_186 = arith.constant 0 : i32
      %dma_start3A_187 = tpu.memref_slice %arg8[%dma_start3A_182, %dma_start3A_186] : memref<16x128xi32, #tpu.memory_space<vmem>> -> memref<1x128xi32, #tpu.memory_space<vmem>>
      %dma_start3A_188 = tpu.memref_squeeze %dma_start3A_187 : memref<1x128xi32, #tpu.memory_space<vmem>> -> memref<128xi32, #tpu.memory_space<vmem>>
      %dma_start3A_189 = arith.constant 0 : i32
      %dma_start3A_190 = arith.constant 0 : i32
      %dma_start3A_191 = tpu.memref_slice %arg11[%dma_start3A_189, %dma_start3A_190] : memref<16384x16xf32, #tpu.memory_space<vmem_shared>> -> memref<16384x16xf32, #tpu.memory_space<vmem_shared>>
      tpu.enqueue_indirect_dma source(%dma_start3A_191 : memref<16384x16xf32, #tpu.memory_space<vmem_shared>>) target(%dma_start3A_185 : memref<128x16xf32, #tpu.memory_space<vmem>>) offsets(%dma_start3A_188 : memref<128xi32, #tpu.memory_space<vmem>>) semaphore(%arg13 : memref<!tpu.dma_semaphore, #tpu.memory_space<semaphore_mem>>)
      %dma_start3A_192 = arith.constant 14 : i32
      %dma_start3A_193 = arith.constant 1792 : i32
      %dma_start3A_194 = arith.constant 0 : i32
      %dma_start3A_195 = tpu.memref_slice %arg7[%dma_start3A_193, %dma_start3A_194] : memref<2048x16xf32, #tpu.memory_space<vmem>> -> memref<128x16xf32, #tpu.memory_space<vmem>>
      %dma_start3A_196 = arith.constant 0 : i32
      %dma_start3A_197 = tpu.memref_slice %arg8[%dma_start3A_192, %dma_start3A_196] : memref<16x128xi32, #tpu.memory_space<vmem>> -> memref<1x128xi32, #tpu.memory_space<vmem>>
      %dma_start3A_198 = tpu.memref_squeeze %dma_start3A_197 : memref<1x128xi32, #tpu.memory_space<vmem>> -> memref<128xi32, #tpu.memory_space<vmem>>
      %dma_start3A_199 = arith.constant 0 : i32
      %dma_start3A_200 = arith.constant 0 : i32
      %dma_start3A_201 = tpu.memref_slice %arg11[%dma_start3A_199, %dma_start3A_200] : memref<16384x16xf32, #tpu.memory_space<vmem_shared>> -> memref<16384x16xf32, #tpu.memory_space<vmem_shared>>
      tpu.enqueue_indirect_dma source(%dma_start3A_201 : memref<16384x16xf32, #tpu.memory_space<vmem_shared>>) target(%dma_start3A_195 : memref<128x16xf32, #tpu.memory_space<vmem>>) offsets(%dma_start3A_198 : memref<128xi32, #tpu.memory_space<vmem>>) semaphore(%arg13 : memref<!tpu.dma_semaphore, #tpu.memory_space<semaphore_mem>>)
      %dma_start3A_202 = arith.constant 15 : i32
      %dma_start3A_203 = arith.constant 1920 : i32
      %dma_start3A_204 = arith.constant 0 : i32
      %dma_start3A_205 = tpu.memref_slice %arg7[%dma_start3A_203, %dma_start3A_204] : memref<2048x16xf32, #tpu.memory_space<vmem>> -> memref<128x16xf32, #tpu.memory_space<vmem>>
      %dma_start3A_206 = arith.constant 0 : i32
      %dma_start3A_207 = tpu.memref_slice %arg8[%dma_start3A_202, %dma_start3A_206] : memref<16x128xi32, #tpu.memory_space<vmem>> -> memref<1x128xi32, #tpu.memory_space<vmem>>
      %dma_start3A_208 = tpu.memref_squeeze %dma_start3A_207 : memref<1x128xi32, #tpu.memory_space<vmem>> -> memref<128xi32, #tpu.memory_space<vmem>>
      %dma_start3A_209 = arith.constant 0 : i32
      %dma_start3A_210 = arith.constant 0 : i32
      %dma_start3A_211 = tpu.memref_slice %arg11[%dma_start3A_209, %dma_start3A_210] : memref<16384x16xf32, #tpu.memory_space<vmem_shared>> -> memref<16384x16xf32, #tpu.memory_space<vmem_shared>>
      tpu.enqueue_indirect_dma source(%dma_start3A_211 : memref<16384x16xf32, #tpu.memory_space<vmem_shared>>) target(%dma_start3A_205 : memref<128x16xf32, #tpu.memory_space<vmem>>) offsets(%dma_start3A_208 : memref<128xi32, #tpu.memory_space<vmem>>) semaphore(%arg13 : memref<!tpu.dma_semaphore, #tpu.memory_space<semaphore_mem>>)
      %dma_wait3A_212 = arith.constant 0 : i32
      %dma_wait3A_213 = arith.constant 0 : i32
      %dma_wait3A_214 = arith.constant 0 : i32
      %dma_wait3A_215 = tpu.memref_slice %arg7[%dma_wait3A_213, %dma_wait3A_214] : memref<2048x16xf32, #tpu.memory_space<vmem>> -> memref<128x16xf32, #tpu.memory_space<vmem>>
      %dma_wait3A_216 = arith.constant 0 : i32
      %dma_wait3A_217 = tpu.memref_slice %arg8[%dma_wait3A_212, %dma_wait3A_216] : memref<16x128xi32, #tpu.memory_space<vmem>> -> memref<1x128xi32, #tpu.memory_space<vmem>>
      %dma_wait3A_218 = tpu.memref_squeeze %dma_wait3A_217 : memref<1x128xi32, #tpu.memory_space<vmem>> -> memref<128xi32, #tpu.memory_space<vmem>>
      %dma_wait3A_219 = arith.constant 0 : i32
      %dma_wait3A_220 = arith.constant 0 : i32
      %dma_wait3A_221 = tpu.memref_slice %arg11[%dma_wait3A_219, %dma_wait3A_220] : memref<16384x16xf32, #tpu.memory_space<vmem_shared>> -> memref<16384x16xf32, #tpu.memory_space<vmem_shared>>
      tpu.wait_indirect_dma semaphore(%arg13 : memref<!tpu.dma_semaphore, #tpu.memory_space<semaphore_mem>>) src(%dma_wait3A_221 : memref<16384x16xf32, #tpu.memory_space<vmem_shared>>) dst(%dma_wait3A_215 : memref<128x16xf32, #tpu.memory_space<vmem>>)
      %dma_wait3A_222 = arith.constant 1 : i32
      %dma_wait3A_223 = arith.constant 128 : i32
      %dma_wait3A_224 = arith.constant 0 : i32
      %dma_wait3A_225 = tpu.memref_slice %arg7[%dma_wait3A_223, %dma_wait3A_224] : memref<2048x16xf32, #tpu.memory_space<vmem>> -> memref<128x16xf32, #tpu.memory_space<vmem>>
      %dma_wait3A_226 = arith.constant 0 : i32
      %dma_wait3A_227 = tpu.memref_slice %arg8[%dma_wait3A_222, %dma_wait3A_226] : memref<16x128xi32, #tpu.memory_space<vmem>> -> memref<1x128xi32, #tpu.memory_space<vmem>>
      %dma_wait3A_228 = tpu.memref_squeeze %dma_wait3A_227 : memref<1x128xi32, #tpu.memory_space<vmem>> -> memref<128xi32, #tpu.memory_space<vmem>>
      %dma_wait3A_229 = arith.constant 0 : i32
      %dma_wait3A_230 = arith.constant 0 : i32
      %dma_wait3A_231 = tpu.memref_slice %arg11[%dma_wait3A_229, %dma_wait3A_230] : memref<16384x16xf32, #tpu.memory_space<vmem_shared>> -> memref<16384x16xf32, #tpu.memory_space<vmem_shared>>
      tpu.wait_indirect_dma semaphore(%arg13 : memref<!tpu.dma_semaphore, #tpu.memory_space<semaphore_mem>>) src(%dma_wait3A_231 : memref<16384x16xf32, #tpu.memory_space<vmem_shared>>) dst(%dma_wait3A_225 : memref<128x16xf32, #tpu.memory_space<vmem>>)
      %dma_wait3A_232 = arith.constant 2 : i32
      %dma_wait3A_233 = arith.constant 256 : i32
      %dma_wait3A_234 = arith.constant 0 : i32
      %dma_wait3A_235 = tpu.memref_slice %arg7[%dma_wait3A_233, %dma_wait3A_234] : memref<2048x16xf32, #tpu.memory_space<vmem>> -> memref<128x16xf32, #tpu.memory_space<vmem>>
      %dma_wait3A_236 = arith.constant 0 : i32
      %dma_wait3A_237 = tpu.memref_slice %arg8[%dma_wait3A_232, %dma_wait3A_236] : memref<16x128xi32, #tpu.memory_space<vmem>> -> memref<1x128xi32, #tpu.memory_space<vmem>>
      %dma_wait3A_238 = tpu.memref_squeeze %dma_wait3A_237 : memref<1x128xi32, #tpu.memory_space<vmem>> -> memref<128xi32, #tpu.memory_space<vmem>>
      %dma_wait3A_239 = arith.constant 0 : i32
      %dma_wait3A_240 = arith.constant 0 : i32
      %dma_wait3A_241 = tpu.memref_slice %arg11[%dma_wait3A_239, %dma_wait3A_240] : memref<16384x16xf32, #tpu.memory_space<vmem_shared>> -> memref<16384x16xf32, #tpu.memory_space<vmem_shared>>
      tpu.wait_indirect_dma semaphore(%arg13 : memref<!tpu.dma_semaphore, #tpu.memory_space<semaphore_mem>>) src(%dma_wait3A_241 : memref<16384x16xf32, #tpu.memory_space<vmem_shared>>) dst(%dma_wait3A_235 : memref<128x16xf32, #tpu.memory_space<vmem>>)
      %dma_wait3A_242 = arith.constant 3 : i32
      %dma_wait3A_243 = arith.constant 384 : i32
      %dma_wait3A_244 = arith.constant 0 : i32
      %dma_wait3A_245 = tpu.memref_slice %arg7[%dma_wait3A_243, %dma_wait3A_244] : memref<2048x16xf32, #tpu.memory_space<vmem>> -> memref<128x16xf32, #tpu.memory_space<vmem>>
      %dma_wait3A_246 = arith.constant 0 : i32
      %dma_wait3A_247 = tpu.memref_slice %arg8[%dma_wait3A_242, %dma_wait3A_246] : memref<16x128xi32, #tpu.memory_space<vmem>> -> memref<1x128xi32, #tpu.memory_space<vmem>>
      %dma_wait3A_248 = tpu.memref_squeeze %dma_wait3A_247 : memref<1x128xi32, #tpu.memory_space<vmem>> -> memref<128xi32, #tpu.memory_space<vmem>>
      %dma_wait3A_249 = arith.constant 0 : i32
      %dma_wait3A_250 = arith.constant 0 : i32
      %dma_wait3A_251 = tpu.memref_slice %arg11[%dma_wait3A_249, %dma_wait3A_250] : memref<16384x16xf32, #tpu.memory_space<vmem_shared>> -> memref<16384x16xf32, #tpu.memory_space<vmem_shared>>
      tpu.wait_indirect_dma semaphore(%arg13 : memref<!tpu.dma_semaphore, #tpu.memory_space<semaphore_mem>>) src(%dma_wait3A_251 : memref<16384x16xf32, #tpu.memory_space<vmem_shared>>) dst(%dma_wait3A_245 : memref<128x16xf32, #tpu.memory_space<vmem>>)
      %dma_wait3A_252 = arith.constant 4 : i32
      %dma_wait3A_253 = arith.constant 512 : i32
      %dma_wait3A_254 = arith.constant 0 : i32
      %dma_wait3A_255 = tpu.memref_slice %arg7[%dma_wait3A_253, %dma_wait3A_254] : memref<2048x16xf32, #tpu.memory_space<vmem>> -> memref<128x16xf32, #tpu.memory_space<vmem>>
      %dma_wait3A_256 = arith.constant 0 : i32
      %dma_wait3A_257 = tpu.memref_slice %arg8[%dma_wait3A_252, %dma_wait3A_256] : memref<16x128xi32, #tpu.memory_space<vmem>> -> memref<1x128xi32, #tpu.memory_space<vmem>>
      %dma_wait3A_258 = tpu.memref_squeeze %dma_wait3A_257 : memref<1x128xi32, #tpu.memory_space<vmem>> -> memref<128xi32, #tpu.memory_space<vmem>>
      %dma_wait3A_259 = arith.constant 0 : i32
      %dma_wait3A_260 = arith.constant 0 : i32
      %dma_wait3A_261 = tpu.memref_slice %arg11[%dma_wait3A_259, %dma_wait3A_260] : memref<16384x16xf32, #tpu.memory_space<vmem_shared>> -> memref<16384x16xf32, #tpu.memory_space<vmem_shared>>
      tpu.wait_indirect_dma semaphore(%arg13 : memref<!tpu.dma_semaphore, #tpu.memory_space<semaphore_mem>>) src(%dma_wait3A_261 : memref<16384x16xf32, #tpu.memory_space<vmem_shared>>) dst(%dma_wait3A_255 : memref<128x16xf32, #tpu.memory_space<vmem>>)
      %dma_wait3A_262 = arith.constant 5 : i32
      %dma_wait3A_263 = arith.constant 640 : i32
      %dma_wait3A_264 = arith.constant 0 : i32
      %dma_wait3A_265 = tpu.memref_slice %arg7[%dma_wait3A_263, %dma_wait3A_264] : memref<2048x16xf32, #tpu.memory_space<vmem>> -> memref<128x16xf32, #tpu.memory_space<vmem>>
      %dma_wait3A_266 = arith.constant 0 : i32
      %dma_wait3A_267 = tpu.memref_slice %arg8[%dma_wait3A_262, %dma_wait3A_266] : memref<16x128xi32, #tpu.memory_space<vmem>> -> memref<1x128xi32, #tpu.memory_space<vmem>>
      %dma_wait3A_268 = tpu.memref_squeeze %dma_wait3A_267 : memref<1x128xi32, #tpu.memory_space<vmem>> -> memref<128xi32, #tpu.memory_space<vmem>>
      %dma_wait3A_269 = arith.constant 0 : i32
      %dma_wait3A_270 = arith.constant 0 : i32
      %dma_wait3A_271 = tpu.memref_slice %arg11[%dma_wait3A_269, %dma_wait3A_270] : memref<16384x16xf32, #tpu.memory_space<vmem_shared>> -> memref<16384x16xf32, #tpu.memory_space<vmem_shared>>
      tpu.wait_indirect_dma semaphore(%arg13 : memref<!tpu.dma_semaphore, #tpu.memory_space<semaphore_mem>>) src(%dma_wait3A_271 : memref<16384x16xf32, #tpu.memory_space<vmem_shared>>) dst(%dma_wait3A_265 : memref<128x16xf32, #tpu.memory_space<vmem>>)
      %dma_wait3A_272 = arith.constant 6 : i32
      %dma_wait3A_273 = arith.constant 768 : i32
      %dma_wait3A_274 = arith.constant 0 : i32
      %dma_wait3A_275 = tpu.memref_slice %arg7[%dma_wait3A_273, %dma_wait3A_274] : memref<2048x16xf32, #tpu.memory_space<vmem>> -> memref<128x16xf32, #tpu.memory_space<vmem>>
      %dma_wait3A_276 = arith.constant 0 : i32
      %dma_wait3A_277 = tpu.memref_slice %arg8[%dma_wait3A_272, %dma_wait3A_276] : memref<16x128xi32, #tpu.memory_space<vmem>> -> memref<1x128xi32, #tpu.memory_space<vmem>>
      %dma_wait3A_278 = tpu.memref_squeeze %dma_wait3A_277 : memref<1x128xi32, #tpu.memory_space<vmem>> -> memref<128xi32, #tpu.memory_space<vmem>>
      %dma_wait3A_279 = arith.constant 0 : i32
      %dma_wait3A_280 = arith.constant 0 : i32
      %dma_wait3A_281 = tpu.memref_slice %arg11[%dma_wait3A_279, %dma_wait3A_280] : memref<16384x16xf32, #tpu.memory_space<vmem_shared>> -> memref<16384x16xf32, #tpu.memory_space<vmem_shared>>
      tpu.wait_indirect_dma semaphore(%arg13 : memref<!tpu.dma_semaphore, #tpu.memory_space<semaphore_mem>>) src(%dma_wait3A_281 : memref<16384x16xf32, #tpu.memory_space<vmem_shared>>) dst(%dma_wait3A_275 : memref<128x16xf32, #tpu.memory_space<vmem>>)
      %dma_wait3A_282 = arith.constant 7 : i32
      %dma_wait3A_283 = arith.constant 896 : i32
      %dma_wait3A_284 = arith.constant 0 : i32
      %dma_wait3A_285 = tpu.memref_slice %arg7[%dma_wait3A_283, %dma_wait3A_284] : memref<2048x16xf32, #tpu.memory_space<vmem>> -> memref<128x16xf32, #tpu.memory_space<vmem>>
      %dma_wait3A_286 = arith.constant 0 : i32
      %dma_wait3A_287 = tpu.memref_slice %arg8[%dma_wait3A_282, %dma_wait3A_286] : memref<16x128xi32, #tpu.memory_space<vmem>> -> memref<1x128xi32, #tpu.memory_space<vmem>>
      %dma_wait3A_288 = tpu.memref_squeeze %dma_wait3A_287 : memref<1x128xi32, #tpu.memory_space<vmem>> -> memref<128xi32, #tpu.memory_space<vmem>>
      %dma_wait3A_289 = arith.constant 0 : i32
      %dma_wait3A_290 = arith.constant 0 : i32
      %dma_wait3A_291 = tpu.memref_slice %arg11[%dma_wait3A_289, %dma_wait3A_290] : memref<16384x16xf32, #tpu.memory_space<vmem_shared>> -> memref<16384x16xf32, #tpu.memory_space<vmem_shared>>
      tpu.wait_indirect_dma semaphore(%arg13 : memref<!tpu.dma_semaphore, #tpu.memory_space<semaphore_mem>>) src(%dma_wait3A_291 : memref<16384x16xf32, #tpu.memory_space<vmem_shared>>) dst(%dma_wait3A_285 : memref<128x16xf32, #tpu.memory_space<vmem>>)
      %dma_wait3A_292 = arith.constant 8 : i32
      %dma_wait3A_293 = arith.constant 1024 : i32
      %dma_wait3A_294 = arith.constant 0 : i32
      %dma_wait3A_295 = tpu.memref_slice %arg7[%dma_wait3A_293, %dma_wait3A_294] : memref<2048x16xf32, #tpu.memory_space<vmem>> -> memref<128x16xf32, #tpu.memory_space<vmem>>
      %dma_wait3A_296 = arith.constant 0 : i32
      %dma_wait3A_297 = tpu.memref_slice %arg8[%dma_wait3A_292, %dma_wait3A_296] : memref<16x128xi32, #tpu.memory_space<vmem>> -> memref<1x128xi32, #tpu.memory_space<vmem>>
      %dma_wait3A_298 = tpu.memref_squeeze %dma_wait3A_297 : memref<1x128xi32, #tpu.memory_space<vmem>> -> memref<128xi32, #tpu.memory_space<vmem>>
      %dma_wait3A_299 = arith.constant 0 : i32
      %dma_wait3A_300 = arith.constant 0 : i32
      %dma_wait3A_301 = tpu.memref_slice %arg11[%dma_wait3A_299, %dma_wait3A_300] : memref<16384x16xf32, #tpu.memory_space<vmem_shared>> -> memref<16384x16xf32, #tpu.memory_space<vmem_shared>>
      tpu.wait_indirect_dma semaphore(%arg13 : memref<!tpu.dma_semaphore, #tpu.memory_space<semaphore_mem>>) src(%dma_wait3A_301 : memref<16384x16xf32, #tpu.memory_space<vmem_shared>>) dst(%dma_wait3A_295 : memref<128x16xf32, #tpu.memory_space<vmem>>)
      %dma_wait3A_302 = arith.constant 9 : i32
      %dma_wait3A_303 = arith.constant 1152 : i32
      %dma_wait3A_304 = arith.constant 0 : i32
      %dma_wait3A_305 = tpu.memref_slice %arg7[%dma_wait3A_303, %dma_wait3A_304] : memref<2048x16xf32, #tpu.memory_space<vmem>> -> memref<128x16xf32, #tpu.memory_space<vmem>>
      %dma_wait3A_306 = arith.constant 0 : i32
      %dma_wait3A_307 = tpu.memref_slice %arg8[%dma_wait3A_302, %dma_wait3A_306] : memref<16x128xi32, #tpu.memory_space<vmem>> -> memref<1x128xi32, #tpu.memory_space<vmem>>
      %dma_wait3A_308 = tpu.memref_squeeze %dma_wait3A_307 : memref<1x128xi32, #tpu.memory_space<vmem>> -> memref<128xi32, #tpu.memory_space<vmem>>
      %dma_wait3A_309 = arith.constant 0 : i32
      %dma_wait3A_310 = arith.constant 0 : i32
      %dma_wait3A_311 = tpu.memref_slice %arg11[%dma_wait3A_309, %dma_wait3A_310] : memref<16384x16xf32, #tpu.memory_space<vmem_shared>> -> memref<16384x16xf32, #tpu.memory_space<vmem_shared>>
      tpu.wait_indirect_dma semaphore(%arg13 : memref<!tpu.dma_semaphore, #tpu.memory_space<semaphore_mem>>) src(%dma_wait3A_311 : memref<16384x16xf32, #tpu.memory_space<vmem_shared>>) dst(%dma_wait3A_305 : memref<128x16xf32, #tpu.memory_space<vmem>>)
      %dma_wait3A_312 = arith.constant 10 : i32
      %dma_wait3A_313 = arith.constant 1280 : i32
      %dma_wait3A_314 = arith.constant 0 : i32
      %dma_wait3A_315 = tpu.memref_slice %arg7[%dma_wait3A_313, %dma_wait3A_314] : memref<2048x16xf32, #tpu.memory_space<vmem>> -> memref<128x16xf32, #tpu.memory_space<vmem>>
      %dma_wait3A_316 = arith.constant 0 : i32
      %dma_wait3A_317 = tpu.memref_slice %arg8[%dma_wait3A_312, %dma_wait3A_316] : memref<16x128xi32, #tpu.memory_space<vmem>> -> memref<1x128xi32, #tpu.memory_space<vmem>>
      %dma_wait3A_318 = tpu.memref_squeeze %dma_wait3A_317 : memref<1x128xi32, #tpu.memory_space<vmem>> -> memref<128xi32, #tpu.memory_space<vmem>>
      %dma_wait3A_319 = arith.constant 0 : i32
      %dma_wait3A_320 = arith.constant 0 : i32
      %dma_wait3A_321 = tpu.memref_slice %arg11[%dma_wait3A_319, %dma_wait3A_320] : memref<16384x16xf32, #tpu.memory_space<vmem_shared>> -> memref<16384x16xf32, #tpu.memory_space<vmem_shared>>
      tpu.wait_indirect_dma semaphore(%arg13 : memref<!tpu.dma_semaphore, #tpu.memory_space<semaphore_mem>>) src(%dma_wait3A_321 : memref<16384x16xf32, #tpu.memory_space<vmem_shared>>) dst(%dma_wait3A_315 : memref<128x16xf32, #tpu.memory_space<vmem>>)
      %dma_wait3A_322 = arith.constant 11 : i32
      %dma_wait3A_323 = arith.constant 1408 : i32
      %dma_wait3A_324 = arith.constant 0 : i32
      %dma_wait3A_325 = tpu.memref_slice %arg7[%dma_wait3A_323, %dma_wait3A_324] : memref<2048x16xf32, #tpu.memory_space<vmem>> -> memref<128x16xf32, #tpu.memory_space<vmem>>
      %dma_wait3A_326 = arith.constant 0 : i32
      %dma_wait3A_327 = tpu.memref_slice %arg8[%dma_wait3A_322, %dma_wait3A_326] : memref<16x128xi32, #tpu.memory_space<vmem>> -> memref<1x128xi32, #tpu.memory_space<vmem>>
      %dma_wait3A_328 = tpu.memref_squeeze %dma_wait3A_327 : memref<1x128xi32, #tpu.memory_space<vmem>> -> memref<128xi32, #tpu.memory_space<vmem>>
      %dma_wait3A_329 = arith.constant 0 : i32
      %dma_wait3A_330 = arith.constant 0 : i32
      %dma_wait3A_331 = tpu.memref_slice %arg11[%dma_wait3A_329, %dma_wait3A_330] : memref<16384x16xf32, #tpu.memory_space<vmem_shared>> -> memref<16384x16xf32, #tpu.memory_space<vmem_shared>>
      tpu.wait_indirect_dma semaphore(%arg13 : memref<!tpu.dma_semaphore, #tpu.memory_space<semaphore_mem>>) src(%dma_wait3A_331 : memref<16384x16xf32, #tpu.memory_space<vmem_shared>>) dst(%dma_wait3A_325 : memref<128x16xf32, #tpu.memory_space<vmem>>)
      %dma_wait3A_332 = arith.constant 12 : i32
      %dma_wait3A_333 = arith.constant 1536 : i32
      %dma_wait3A_334 = arith.constant 0 : i32
      %dma_wait3A_335 = tpu.memref_slice %arg7[%dma_wait3A_333, %dma_wait3A_334] : memref<2048x16xf32, #tpu.memory_space<vmem>> -> memref<128x16xf32, #tpu.memory_space<vmem>>
      %dma_wait3A_336 = arith.constant 0 : i32
      %dma_wait3A_337 = tpu.memref_slice %arg8[%dma_wait3A_332, %dma_wait3A_336] : memref<16x128xi32, #tpu.memory_space<vmem>> -> memref<1x128xi32, #tpu.memory_space<vmem>>
      %dma_wait3A_338 = tpu.memref_squeeze %dma_wait3A_337 : memref<1x128xi32, #tpu.memory_space<vmem>> -> memref<128xi32, #tpu.memory_space<vmem>>
      %dma_wait3A_339 = arith.constant 0 : i32
      %dma_wait3A_340 = arith.constant 0 : i32
      %dma_wait3A_341 = tpu.memref_slice %arg11[%dma_wait3A_339, %dma_wait3A_340] : memref<16384x16xf32, #tpu.memory_space<vmem_shared>> -> memref<16384x16xf32, #tpu.memory_space<vmem_shared>>
      tpu.wait_indirect_dma semaphore(%arg13 : memref<!tpu.dma_semaphore, #tpu.memory_space<semaphore_mem>>) src(%dma_wait3A_341 : memref<16384x16xf32, #tpu.memory_space<vmem_shared>>) dst(%dma_wait3A_335 : memref<128x16xf32, #tpu.memory_space<vmem>>)
      %dma_wait3A_342 = arith.constant 13 : i32
      %dma_wait3A_343 = arith.constant 1664 : i32
      %dma_wait3A_344 = arith.constant 0 : i32
      %dma_wait3A_345 = tpu.memref_slice %arg7[%dma_wait3A_343, %dma_wait3A_344] : memref<2048x16xf32, #tpu.memory_space<vmem>> -> memref<128x16xf32, #tpu.memory_space<vmem>>
      %dma_wait3A_346 = arith.constant 0 : i32
      %dma_wait3A_347 = tpu.memref_slice %arg8[%dma_wait3A_342, %dma_wait3A_346] : memref<16x128xi32, #tpu.memory_space<vmem>> -> memref<1x128xi32, #tpu.memory_space<vmem>>
      %dma_wait3A_348 = tpu.memref_squeeze %dma_wait3A_347 : memref<1x128xi32, #tpu.memory_space<vmem>> -> memref<128xi32, #tpu.memory_space<vmem>>
      %dma_wait3A_349 = arith.constant 0 : i32
      %dma_wait3A_350 = arith.constant 0 : i32
      %dma_wait3A_351 = tpu.memref_slice %arg11[%dma_wait3A_349, %dma_wait3A_350] : memref<16384x16xf32, #tpu.memory_space<vmem_shared>> -> memref<16384x16xf32, #tpu.memory_space<vmem_shared>>
      tpu.wait_indirect_dma semaphore(%arg13 : memref<!tpu.dma_semaphore, #tpu.memory_space<semaphore_mem>>) src(%dma_wait3A_351 : memref<16384x16xf32, #tpu.memory_space<vmem_shared>>) dst(%dma_wait3A_345 : memref<128x16xf32, #tpu.memory_space<vmem>>)
      %dma_wait3A_352 = arith.constant 14 : i32
      %dma_wait3A_353 = arith.constant 1792 : i32
      %dma_wait3A_354 = arith.constant 0 : i32
      %dma_wait3A_355 = tpu.memref_slice %arg7[%dma_wait3A_353, %dma_wait3A_354] : memref<2048x16xf32, #tpu.memory_space<vmem>> -> memref<128x16xf32, #tpu.memory_space<vmem>>
      %dma_wait3A_356 = arith.constant 0 : i32
      %dma_wait3A_357 = tpu.memref_slice %arg8[%dma_wait3A_352, %dma_wait3A_356] : memref<16x128xi32, #tpu.memory_space<vmem>> -> memref<1x128xi32, #tpu.memory_space<vmem>>
      %dma_wait3A_358 = tpu.memref_squeeze %dma_wait3A_357 : memref<1x128xi32, #tpu.memory_space<vmem>> -> memref<128xi32, #tpu.memory_space<vmem>>
      %dma_wait3A_359 = arith.constant 0 : i32
      %dma_wait3A_360 = arith.constant 0 : i32
      %dma_wait3A_361 = tpu.memref_slice %arg11[%dma_wait3A_359, %dma_wait3A_360] : memref<16384x16xf32, #tpu.memory_space<vmem_shared>> -> memref<16384x16xf32, #tpu.memory_space<vmem_shared>>
      tpu.wait_indirect_dma semaphore(%arg13 : memref<!tpu.dma_semaphore, #tpu.memory_space<semaphore_mem>>) src(%dma_wait3A_361 : memref<16384x16xf32, #tpu.memory_space<vmem_shared>>) dst(%dma_wait3A_355 : memref<128x16xf32, #tpu.memory_space<vmem>>)
      %dma_wait3A_362 = arith.constant 15 : i32
      %dma_wait3A_363 = arith.constant 1920 : i32
      %dma_wait3A_364 = arith.constant 0 : i32
      %dma_wait3A_365 = tpu.memref_slice %arg7[%dma_wait3A_363, %dma_wait3A_364] : memref<2048x16xf32, #tpu.memory_space<vmem>> -> memref<128x16xf32, #tpu.memory_space<vmem>>
      %dma_wait3A_366 = arith.constant 0 : i32
      %dma_wait3A_367 = tpu.memref_slice %arg8[%dma_wait3A_362, %dma_wait3A_366] : memref<16x128xi32, #tpu.memory_space<vmem>> -> memref<1x128xi32, #tpu.memory_space<vmem>>
      %dma_wait3A_368 = tpu.memref_squeeze %dma_wait3A_367 : memref<1x128xi32, #tpu.memory_space<vmem>> -> memref<128xi32, #tpu.memory_space<vmem>>
      %dma_wait3A_369 = arith.constant 0 : i32
      %dma_wait3A_370 = arith.constant 0 : i32
      %dma_wait3A_371 = tpu.memref_slice %arg11[%dma_wait3A_369, %dma_wait3A_370] : memref<16384x16xf32, #tpu.memory_space<vmem_shared>> -> memref<16384x16xf32, #tpu.memory_space<vmem_shared>>
      tpu.wait_indirect_dma semaphore(%arg13 : memref<!tpu.dma_semaphore, #tpu.memory_space<semaphore_mem>>) src(%dma_wait3A_371 : memref<16384x16xf32, #tpu.memory_space<vmem_shared>>) dst(%dma_wait3A_365 : memref<128x16xf32, #tpu.memory_space<vmem>>)
      %scan3A_372 = arith.constant 0 : i32
      %scan3A_373 = arith.constant 0 : i32
      %scan3A_374 = arith.constant 128 : i32
      %scan3A_375 = arith.addi %scan3A_373, %scan3A_374 : i32
      %scan3A_376 = arith.constant 1 : i32
      %scan3A_377 = scf.for %scan3A_700 = %scan3A_373 to %scan3A_375 step %scan3A_376 iter_args(%scan3A_701 = %scan3A_372) -> (i32)  : i32 {
        %mul3A_702 = arith.constant 16 : i32
        %mul3A_703 = arith.muli %scan3A_700, %mul3A_702 : i32
        %get3A = arith.index_cast %mul3A_703 : i32 to index
        %get3A_704 = tpu.vector_load %arg10[%get3A] {strides = array<i32>} : memref<2048xf32, #tpu.memory_space<vmem>>, vector<16xf32>,
        %get3A_705 = vector.shape_cast %get3A_704 : vector<16xf32> to vector<16xf32>
        %add3A_706 = arith.constant 0 : i32
        %add3A_707 = arith.addi %mul3A_703, %add3A_706 : i32
        %get3A_708 = arith.index_cast %add3A_707 : i32 to index
        %get3A_709 = arith.constant 0 : index
        %get3A_710 = tpu.vector_load %arg7[%get3A_708, %get3A_709] {strides = array<i32>} : memref<2048x16xf32, #tpu.memory_space<vmem>>, vector<1x16xf32>,
        %get3A_711 = vector.shape_cast %get3A_710 : vector<1x16xf32> to vector<16xf32>
        %slice3A = vector.extract_strided_slice %get3A_705 {offsets = [0], sizes = [1], strides = [1]} : vector<16xf32> to vector<1xf32>
        %squeeze3A = vector.extract %slice3A[0] : f32 from vector<1xf32>
        %mul3A_712 = vector.broadcast %squeeze3A : f32 to vector<16xf32>
        %mul3A_713 = arith.mulf %get3A_711, %mul3A_712 : vector<16xf32>
        %add3A_714 = arith.constant 0 : i32
        %add3A_715 = arith.addi %mul3A_703, %add3A_714 : i32
        %swap3A = arith.index_cast %add3A_715 : i32 to index
        %swap3A_716 = arith.constant 0 : index
        %swap3A_717 = tpu.vector_load %arg7[%swap3A, %swap3A_716] {strides = array<i32>} : memref<2048x16xf32, #tpu.memory_space<vmem>>, vector<1x16xf32>,
        %swap3A_718 = vector.shape_cast %swap3A_717 : vector<1x16xf32> to vector<16xf32>
        %swap3A_719 = vector.shape_cast %mul3A_713 : vector<16xf32> to vector<1x16xf32>
        tpu.vector_store %arg7[%swap3A, %swap3A_716], %swap3A_719 {strides = array<i32>} : memref<2048x16xf32, #tpu.memory_space<vmem>>, vector<1x16xf32>,
        %add3A_720 = arith.constant 1 : i32
        %add3A_721 = arith.addi %mul3A_703, %add3A_720 : i32
        %get3A_722 = arith.index_cast %add3A_721 : i32 to index
        %get3A_723 = arith.constant 0 : index
        %get3A_724 = tpu.vector_load %arg7[%get3A_722, %get3A_723] {strides = array<i32>} : memref<2048x16xf32, #tpu.memory_space<vmem>>, vector<1x16xf32>,
        %get3A_725 = vector.shape_cast %get3A_724 : vector<1x16xf32> to vector<16xf32>
        %slice3A_726 = vector.extract_strided_slice %get3A_705 {offsets = [1], sizes = [1], strides = [1]} : vector<16xf32> to vector<1xf32>
        %squeeze3A_727 = vector.extract %slice3A_726[0] : f32 from vector<1xf32>
        %mul3A_728 = vector.broadcast %squeeze3A_727 : f32 to vector<16xf32>
        %mul3A_729 = arith.mulf %get3A_725, %mul3A_728 : vector<16xf32>
        %add3A_730 = arith.constant 1 : i32
        %add3A_731 = arith.addi %mul3A_703, %add3A_730 : i32
        %swap3A_732 = arith.index_cast %add3A_731 : i32 to index
        %swap3A_733 = arith.constant 0 : index
        %swap3A_734 = tpu.vector_load %arg7[%swap3A_732, %swap3A_733] {strides = array<i32>} : memref<2048x16xf32, #tpu.memory_space<vmem>>, vector<1x16xf32>,
        %swap3A_735 = vector.shape_cast %swap3A_734 : vector<1x16xf32> to vector<16xf32>
        %swap3A_736 = vector.shape_cast %mul3A_729 : vector<16xf32> to vector<1x16xf32>
        tpu.vector_store %arg7[%swap3A_732, %swap3A_733], %swap3A_736 {strides = array<i32>} : memref<2048x16xf32, #tpu.memory_space<vmem>>, vector<1x16xf32>,
        %add3A_737 = arith.constant 2 : i32
        %add3A_738 = arith.addi %mul3A_703, %add3A_737 : i32
        %get3A_739 = arith.index_cast %add3A_738 : i32 to index
        %get3A_740 = arith.constant 0 : index
        %get3A_741 = tpu.vector_load %arg7[%get3A_739, %get3A_740] {strides = array<i32>} : memref<2048x16xf32, #tpu.memory_space<vmem>>, vector<1x16xf32>,
        %get3A_742 = vector.shape_cast %get3A_741 : vector<1x16xf32> to vector<16xf32>
        %slice3A_743 = vector.extract_strided_slice %get3A_705 {offsets = [2], sizes = [1], strides = [1]} : vector<16xf32> to vector<1xf32>
        %squeeze3A_744 = vector.extract %slice3A_743[0] : f32 from vector<1xf32>
        %mul3A_745 = vector.broadcast %squeeze3A_744 : f32 to vector<16xf32>
        %mul3A_746 = arith.mulf %get3A_742, %mul3A_745 : vector<16xf32>
        %add3A_747 = arith.constant 2 : i32
        %add3A_748 = arith.addi %mul3A_703, %add3A_747 : i32
        %swap3A_749 = arith.index_cast %add3A_748 : i32 to index
        %swap3A_750 = arith.constant 0 : index
        %swap3A_751 = tpu.vector_load %arg7[%swap3A_749, %swap3A_750] {strides = array<i32>} : memref<2048x16xf32, #tpu.memory_space<vmem>>, vector<1x16xf32>,
        %swap3A_752 = vector.shape_cast %swap3A_751 : vector<1x16xf32> to vector<16xf32>
        %swap3A_753 = vector.shape_cast %mul3A_746 : vector<16xf32> to vector<1x16xf32>
        tpu.vector_store %arg7[%swap3A_749, %swap3A_750], %swap3A_753 {strides = array<i32>} : memref<2048x16xf32, #tpu.memory_space<vmem>>, vector<1x16xf32>,
        %add3A_754 = arith.constant 3 : i32
        %add3A_755 = arith.addi %mul3A_703, %add3A_754 : i32
        %get3A_756 = arith.index_cast %add3A_755 : i32 to index
        %get3A_757 = arith.constant 0 : index
        %get3A_758 = tpu.vector_load %arg7[%get3A_756, %get3A_757] {strides = array<i32>} : memref<2048x16xf32, #tpu.memory_space<vmem>>, vector<1x16xf32>,
        %get3A_759 = vector.shape_cast %get3A_758 : vector<1x16xf32> to vector<16xf32>
        %slice3A_760 = vector.extract_strided_slice %get3A_705 {offsets = [3], sizes = [1], strides = [1]} : vector<16xf32> to vector<1xf32>
        %squeeze3A_761 = vector.extract %slice3A_760[0] : f32 from vector<1xf32>
        %mul3A_762 = vector.broadcast %squeeze3A_761 : f32 to vector<16xf32>
        %mul3A_763 = arith.mulf %get3A_759, %mul3A_762 : vector<16xf32>
        %add3A_764 = arith.constant 3 : i32
        %add3A_765 = arith.addi %mul3A_703, %add3A_764 : i32
        %swap3A_766 = arith.index_cast %add3A_765 : i32 to index
        %swap3A_767 = arith.constant 0 : index
        %swap3A_768 = tpu.vector_load %arg7[%swap3A_766, %swap3A_767] {strides = array<i32>} : memref<2048x16xf32, #tpu.memory_space<vmem>>, vector<1x16xf32>,
        %swap3A_769 = vector.shape_cast %swap3A_768 : vector<1x16xf32> to vector<16xf32>
        %swap3A_770 = vector.shape_cast %mul3A_763 : vector<16xf32> to vector<1x16xf32>
        tpu.vector_store %arg7[%swap3A_766, %swap3A_767], %swap3A_770 {strides = array<i32>} : memref<2048x16xf32, #tpu.memory_space<vmem>>, vector<1x16xf32>,
        %add3A_771 = arith.constant 4 : i32
        %add3A_772 = arith.addi %mul3A_703, %add3A_771 : i32
        %get3A_773 = arith.index_cast %add3A_772 : i32 to index
        %get3A_774 = arith.constant 0 : index
        %get3A_775 = tpu.vector_load %arg7[%get3A_773, %get3A_774] {strides = array<i32>} : memref<2048x16xf32, #tpu.memory_space<vmem>>, vector<1x16xf32>,
        %get3A_776 = vector.shape_cast %get3A_775 : vector<1x16xf32> to vector<16xf32>
        %slice3A_777 = vector.extract_strided_slice %get3A_705 {offsets = [4], sizes = [1], strides = [1]} : vector<16xf32> to vector<1xf32>
        %squeeze3A_778 = vector.extract %slice3A_777[0] : f32 from vector<1xf32>
        %mul3A_779 = vector.broadcast %squeeze3A_778 : f32 to vector<16xf32>
        %mul3A_780 = arith.mulf %get3A_776, %mul3A_779 : vector<16xf32>
        %add3A_781 = arith.constant 4 : i32
        %add3A_782 = arith.addi %mul3A_703, %add3A_781 : i32
        %swap3A_783 = arith.index_cast %add3A_782 : i32 to index
        %swap3A_784 = arith.constant 0 : index
        %swap3A_785 = tpu.vector_load %arg7[%swap3A_783, %swap3A_784] {strides = array<i32>} : memref<2048x16xf32, #tpu.memory_space<vmem>>, vector<1x16xf32>,
        %swap3A_786 = vector.shape_cast %swap3A_785 : vector<1x16xf32> to vector<16xf32>
        %swap3A_787 = vector.shape_cast %mul3A_780 : vector<16xf32> to vector<1x16xf32>
        tpu.vector_store %arg7[%swap3A_783, %swap3A_784], %swap3A_787 {strides = array<i32>} : memref<2048x16xf32, #tpu.memory_space<vmem>>, vector<1x16xf32>,
        %add3A_788 = arith.constant 5 : i32
        %add3A_789 = arith.addi %mul3A_703, %add3A_788 : i32
        %get3A_790 = arith.index_cast %add3A_789 : i32 to index
        %get3A_791 = arith.constant 0 : index
        %get3A_792 = tpu.vector_load %arg7[%get3A_790, %get3A_791] {strides = array<i32>} : memref<2048x16xf32, #tpu.memory_space<vmem>>, vector<1x16xf32>,
        %get3A_793 = vector.shape_cast %get3A_792 : vector<1x16xf32> to vector<16xf32>
        %slice3A_794 = vector.extract_strided_slice %get3A_705 {offsets = [5], sizes = [1], strides = [1]} : vector<16xf32> to vector<1xf32>
        %squeeze3A_795 = vector.extract %slice3A_794[0] : f32 from vector<1xf32>
        %mul3A_796 = vector.broadcast %squeeze3A_795 : f32 to vector<16xf32>
        %mul3A_797 = arith.mulf %get3A_793, %mul3A_796 : vector<16xf32>
        %add3A_798 = arith.constant 5 : i32
        %add3A_799 = arith.addi %mul3A_703, %add3A_798 : i32
        %swap3A_800 = arith.index_cast %add3A_799 : i32 to index
        %swap3A_801 = arith.constant 0 : index
        %swap3A_802 = tpu.vector_load %arg7[%swap3A_800, %swap3A_801] {strides = array<i32>} : memref<2048x16xf32, #tpu.memory_space<vmem>>, vector<1x16xf32>,
        %swap3A_803 = vector.shape_cast %swap3A_802 : vector<1x16xf32> to vector<16xf32>
        %swap3A_804 = vector.shape_cast %mul3A_797 : vector<16xf32> to vector<1x16xf32>
        tpu.vector_store %arg7[%swap3A_800, %swap3A_801], %swap3A_804 {strides = array<i32>} : memref<2048x16xf32, #tpu.memory_space<vmem>>, vector<1x16xf32>,
        %add3A_805 = arith.constant 6 : i32
        %add3A_806 = arith.addi %mul3A_703, %add3A_805 : i32
        %get3A_807 = arith.index_cast %add3A_806 : i32 to index
        %get3A_808 = arith.constant 0 : index
        %get3A_809 = tpu.vector_load %arg7[%get3A_807, %get3A_808] {strides = array<i32>} : memref<2048x16xf32, #tpu.memory_space<vmem>>, vector<1x16xf32>,
        %get3A_810 = vector.shape_cast %get3A_809 : vector<1x16xf32> to vector<16xf32>
        %slice3A_811 = vector.extract_strided_slice %get3A_705 {offsets = [6], sizes = [1], strides = [1]} : vector<16xf32> to vector<1xf32>
        %squeeze3A_812 = vector.extract %slice3A_811[0] : f32 from vector<1xf32>
        %mul3A_813 = vector.broadcast %squeeze3A_812 : f32 to vector<16xf32>
        %mul3A_814 = arith.mulf %get3A_810, %mul3A_813 : vector<16xf32>
        %add3A_815 = arith.constant 6 : i32
        %add3A_816 = arith.addi %mul3A_703, %add3A_815 : i32
        %swap3A_817 = arith.index_cast %add3A_816 : i32 to index
        %swap3A_818 = arith.constant 0 : index
        %swap3A_819 = tpu.vector_load %arg7[%swap3A_817, %swap3A_818] {strides = array<i32>} : memref<2048x16xf32, #tpu.memory_space<vmem>>, vector<1x16xf32>,
        %swap3A_820 = vector.shape_cast %swap3A_819 : vector<1x16xf32> to vector<16xf32>
        %swap3A_821 = vector.shape_cast %mul3A_814 : vector<16xf32> to vector<1x16xf32>
        tpu.vector_store %arg7[%swap3A_817, %swap3A_818], %swap3A_821 {strides = array<i32>} : memref<2048x16xf32, #tpu.memory_space<vmem>>, vector<1x16xf32>,
        %add3A_822 = arith.constant 7 : i32
        %add3A_823 = arith.addi %mul3A_703, %add3A_822 : i32
        %get3A_824 = arith.index_cast %add3A_823 : i32 to index
        %get3A_825 = arith.constant 0 : index
        %get3A_826 = tpu.vector_load %arg7[%get3A_824, %get3A_825] {strides = array<i32>} : memref<2048x16xf32, #tpu.memory_space<vmem>>, vector<1x16xf32>,
        %get3A_827 = vector.shape_cast %get3A_826 : vector<1x16xf32> to vector<16xf32>
        %slice3A_828 = vector.extract_strided_slice %get3A_705 {offsets = [7], sizes = [1], strides = [1]} : vector<16xf32> to vector<1xf32>
        %squeeze3A_829 = vector.extract %slice3A_828[0] : f32 from vector<1xf32>
        %mul3A_830 = vector.broadcast %squeeze3A_829 : f32 to vector<16xf32>
        %mul3A_831 = arith.mulf %get3A_827, %mul3A_830 : vector<16xf32>
        %add3A_832 = arith.constant 7 : i32
        %add3A_833 = arith.addi %mul3A_703, %add3A_832 : i32
        %swap3A_834 = arith.index_cast %add3A_833 : i32 to index
        %swap3A_835 = arith.constant 0 : index
        %swap3A_836 = tpu.vector_load %arg7[%swap3A_834, %swap3A_835] {strides = array<i32>} : memref<2048x16xf32, #tpu.memory_space<vmem>>, vector<1x16xf32>,
        %swap3A_837 = vector.shape_cast %swap3A_836 : vector<1x16xf32> to vector<16xf32>
        %swap3A_838 = vector.shape_cast %mul3A_831 : vector<16xf32> to vector<1x16xf32>
        tpu.vector_store %arg7[%swap3A_834, %swap3A_835], %swap3A_838 {strides = array<i32>} : memref<2048x16xf32, #tpu.memory_space<vmem>>, vector<1x16xf32>,
        %add3A_839 = arith.constant 8 : i32
        %add3A_840 = arith.addi %mul3A_703, %add3A_839 : i32
        %get3A_841 = arith.index_cast %add3A_840 : i32 to index
        %get3A_842 = arith.constant 0 : index
        %get3A_843 = tpu.vector_load %arg7[%get3A_841, %get3A_842] {strides = array<i32>} : memref<2048x16xf32, #tpu.memory_space<vmem>>, vector<1x16xf32>,
        %get3A_844 = vector.shape_cast %get3A_843 : vector<1x16xf32> to vector<16xf32>
        %slice3A_845 = vector.extract_strided_slice %get3A_705 {offsets = [8], sizes = [1], strides = [1]} : vector<16xf32> to vector<1xf32>
        %squeeze3A_846 = vector.extract %slice3A_845[0] : f32 from vector<1xf32>
        %mul3A_847 = vector.broadcast %squeeze3A_846 : f32 to vector<16xf32>
        %mul3A_848 = arith.mulf %get3A_844, %mul3A_847 : vector<16xf32>
        %add3A_849 = arith.constant 8 : i32
        %add3A_850 = arith.addi %mul3A_703, %add3A_849 : i32
        %swap3A_851 = arith.index_cast %add3A_850 : i32 to index
        %swap3A_852 = arith.constant 0 : index
        %swap3A_853 = tpu.vector_load %arg7[%swap3A_851, %swap3A_852] {strides = array<i32>} : memref<2048x16xf32, #tpu.memory_space<vmem>>, vector<1x16xf32>,
        %swap3A_854 = vector.shape_cast %swap3A_853 : vector<1x16xf32> to vector<16xf32>
        %swap3A_855 = vector.shape_cast %mul3A_848 : vector<16xf32> to vector<1x16xf32>
        tpu.vector_store %arg7[%swap3A_851, %swap3A_852], %swap3A_855 {strides = array<i32>} : memref<2048x16xf32, #tpu.memory_space<vmem>>, vector<1x16xf32>,
        %add3A_856 = arith.constant 9 : i32
        %add3A_857 = arith.addi %mul3A_703, %add3A_856 : i32
        %get3A_858 = arith.index_cast %add3A_857 : i32 to index
        %get3A_859 = arith.constant 0 : index
        %get3A_860 = tpu.vector_load %arg7[%get3A_858, %get3A_859] {strides = array<i32>} : memref<2048x16xf32, #tpu.memory_space<vmem>>, vector<1x16xf32>,
        %get3A_861 = vector.shape_cast %get3A_860 : vector<1x16xf32> to vector<16xf32>
        %slice3A_862 = vector.extract_strided_slice %get3A_705 {offsets = [9], sizes = [1], strides = [1]} : vector<16xf32> to vector<1xf32>
        %squeeze3A_863 = vector.extract %slice3A_862[0] : f32 from vector<1xf32>
        %mul3A_864 = vector.broadcast %squeeze3A_863 : f32 to vector<16xf32>
        %mul3A_865 = arith.mulf %get3A_861, %mul3A_864 : vector<16xf32>
        %add3A_866 = arith.constant 9 : i32
        %add3A_867 = arith.addi %mul3A_703, %add3A_866 : i32
        %swap3A_868 = arith.index_cast %add3A_867 : i32 to index
        %swap3A_869 = arith.constant 0 : index
        %swap3A_870 = tpu.vector_load %arg7[%swap3A_868, %swap3A_869] {strides = array<i32>} : memref<2048x16xf32, #tpu.memory_space<vmem>>, vector<1x16xf32>,
        %swap3A_871 = vector.shape_cast %swap3A_870 : vector<1x16xf32> to vector<16xf32>
        %swap3A_872 = vector.shape_cast %mul3A_865 : vector<16xf32> to vector<1x16xf32>
        tpu.vector_store %arg7[%swap3A_868, %swap3A_869], %swap3A_872 {strides = array<i32>} : memref<2048x16xf32, #tpu.memory_space<vmem>>, vector<1x16xf32>,
        %add3A_873 = arith.constant 10 : i32
        %add3A_874 = arith.addi %mul3A_703, %add3A_873 : i32
        %get3A_875 = arith.index_cast %add3A_874 : i32 to index
        %get3A_876 = arith.constant 0 : index
        %get3A_877 = tpu.vector_load %arg7[%get3A_875, %get3A_876] {strides = array<i32>} : memref<2048x16xf32, #tpu.memory_space<vmem>>, vector<1x16xf32>,
        %get3A_878 = vector.shape_cast %get3A_877 : vector<1x16xf32> to vector<16xf32>
        %slice3A_879 = vector.extract_strided_slice %get3A_705 {offsets = [10], sizes = [1], strides = [1]} : vector<16xf32> to vector<1xf32>
        %squeeze3A_880 = vector.extract %slice3A_879[0] : f32 from vector<1xf32>
        %mul3A_881 = vector.broadcast %squeeze3A_880 : f32 to vector<16xf32>
        %mul3A_882 = arith.mulf %get3A_878, %mul3A_881 : vector<16xf32>
        %add3A_883 = arith.constant 10 : i32
        %add3A_884 = arith.addi %mul3A_703, %add3A_883 : i32
        %swap3A_885 = arith.index_cast %add3A_884 : i32 to index
        %swap3A_886 = arith.constant 0 : index
        %swap3A_887 = tpu.vector_load %arg7[%swap3A_885, %swap3A_886] {strides = array<i32>} : memref<2048x16xf32, #tpu.memory_space<vmem>>, vector<1x16xf32>,
        %swap3A_888 = vector.shape_cast %swap3A_887 : vector<1x16xf32> to vector<16xf32>
        %swap3A_889 = vector.shape_cast %mul3A_882 : vector<16xf32> to vector<1x16xf32>
        tpu.vector_store %arg7[%swap3A_885, %swap3A_886], %swap3A_889 {strides = array<i32>} : memref<2048x16xf32, #tpu.memory_space<vmem>>, vector<1x16xf32>,
        %add3A_890 = arith.constant 11 : i32
        %add3A_891 = arith.addi %mul3A_703, %add3A_890 : i32
        %get3A_892 = arith.index_cast %add3A_891 : i32 to index
        %get3A_893 = arith.constant 0 : index
        %get3A_894 = tpu.vector_load %arg7[%get3A_892, %get3A_893] {strides = array<i32>} : memref<2048x16xf32, #tpu.memory_space<vmem>>, vector<1x16xf32>,
        %get3A_895 = vector.shape_cast %get3A_894 : vector<1x16xf32> to vector<16xf32>
        %slice3A_896 = vector.extract_strided_slice %get3A_705 {offsets = [11], sizes = [1], strides = [1]} : vector<16xf32> to vector<1xf32>
        %squeeze3A_897 = vector.extract %slice3A_896[0] : f32 from vector<1xf32>
        %mul3A_898 = vector.broadcast %squeeze3A_897 : f32 to vector<16xf32>
        %mul3A_899 = arith.mulf %get3A_895, %mul3A_898 : vector<16xf32>
        %add3A_900 = arith.constant 11 : i32
        %add3A_901 = arith.addi %mul3A_703, %add3A_900 : i32
        %swap3A_902 = arith.index_cast %add3A_901 : i32 to index
        %swap3A_903 = arith.constant 0 : index
        %swap3A_904 = tpu.vector_load %arg7[%swap3A_902, %swap3A_903] {strides = array<i32>} : memref<2048x16xf32, #tpu.memory_space<vmem>>, vector<1x16xf32>,
        %swap3A_905 = vector.shape_cast %swap3A_904 : vector<1x16xf32> to vector<16xf32>
        %swap3A_906 = vector.shape_cast %mul3A_899 : vector<16xf32> to vector<1x16xf32>
        tpu.vector_store %arg7[%swap3A_902, %swap3A_903], %swap3A_906 {strides = array<i32>} : memref<2048x16xf32, #tpu.memory_space<vmem>>, vector<1x16xf32>,
        %add3A_907 = arith.constant 12 : i32
        %add3A_908 = arith.addi %mul3A_703, %add3A_907 : i32
        %get3A_909 = arith.index_cast %add3A_908 : i32 to index
        %get3A_910 = arith.constant 0 : index
        %get3A_911 = tpu.vector_load %arg7[%get3A_909, %get3A_910] {strides = array<i32>} : memref<2048x16xf32, #tpu.memory_space<vmem>>, vector<1x16xf32>,
        %get3A_912 = vector.shape_cast %get3A_911 : vector<1x16xf32> to vector<16xf32>
        %slice3A_913 = vector.extract_strided_slice %get3A_705 {offsets = [12], sizes = [1], strides = [1]} : vector<16xf32> to vector<1xf32>
        %squeeze3A_914 = vector.extract %slice3A_913[0] : f32 from vector<1xf32>
        %mul3A_915 = vector.broadcast %squeeze3A_914 : f32 to vector<16xf32>
        %mul3A_916 = arith.mulf %get3A_912, %mul3A_915 : vector<16xf32>
        %add3A_917 = arith.constant 12 : i32
        %add3A_918 = arith.addi %mul3A_703, %add3A_917 : i32
        %swap3A_919 = arith.index_cast %add3A_918 : i32 to index
        %swap3A_920 = arith.constant 0 : index
        %swap3A_921 = tpu.vector_load %arg7[%swap3A_919, %swap3A_920] {strides = array<i32>} : memref<2048x16xf32, #tpu.memory_space<vmem>>, vector<1x16xf32>,
        %swap3A_922 = vector.shape_cast %swap3A_921 : vector<1x16xf32> to vector<16xf32>
        %swap3A_923 = vector.shape_cast %mul3A_916 : vector<16xf32> to vector<1x16xf32>
        tpu.vector_store %arg7[%swap3A_919, %swap3A_920], %swap3A_923 {strides = array<i32>} : memref<2048x16xf32, #tpu.memory_space<vmem>>, vector<1x16xf32>,
        %add3A_924 = arith.constant 13 : i32
        %add3A_925 = arith.addi %mul3A_703, %add3A_924 : i32
        %get3A_926 = arith.index_cast %add3A_925 : i32 to index
        %get3A_927 = arith.constant 0 : index
        %get3A_928 = tpu.vector_load %arg7[%get3A_926, %get3A_927] {strides = array<i32>} : memref<2048x16xf32, #tpu.memory_space<vmem>>, vector<1x16xf32>,
        %get3A_929 = vector.shape_cast %get3A_928 : vector<1x16xf32> to vector<16xf32>
        %slice3A_930 = vector.extract_strided_slice %get3A_705 {offsets = [13], sizes = [1], strides = [1]} : vector<16xf32> to vector<1xf32>
        %squeeze3A_931 = vector.extract %slice3A_930[0] : f32 from vector<1xf32>
        %mul3A_932 = vector.broadcast %squeeze3A_931 : f32 to vector<16xf32>
        %mul3A_933 = arith.mulf %get3A_929, %mul3A_932 : vector<16xf32>
        %add3A_934 = arith.constant 13 : i32
        %add3A_935 = arith.addi %mul3A_703, %add3A_934 : i32
        %swap3A_936 = arith.index_cast %add3A_935 : i32 to index
        %swap3A_937 = arith.constant 0 : index
        %swap3A_938 = tpu.vector_load %arg7[%swap3A_936, %swap3A_937] {strides = array<i32>} : memref<2048x16xf32, #tpu.memory_space<vmem>>, vector<1x16xf32>,
        %swap3A_939 = vector.shape_cast %swap3A_938 : vector<1x16xf32> to vector<16xf32>
        %swap3A_940 = vector.shape_cast %mul3A_933 : vector<16xf32> to vector<1x16xf32>
        tpu.vector_store %arg7[%swap3A_936, %swap3A_937], %swap3A_940 {strides = array<i32>} : memref<2048x16xf32, #tpu.memory_space<vmem>>, vector<1x16xf32>,
        %add3A_941 = arith.constant 14 : i32
        %add3A_942 = arith.addi %mul3A_703, %add3A_941 : i32
        %get3A_943 = arith.index_cast %add3A_942 : i32 to index
        %get3A_944 = arith.constant 0 : index
        %get3A_945 = tpu.vector_load %arg7[%get3A_943, %get3A_944] {strides = array<i32>} : memref<2048x16xf32, #tpu.memory_space<vmem>>, vector<1x16xf32>,
        %get3A_946 = vector.shape_cast %get3A_945 : vector<1x16xf32> to vector<16xf32>
        %slice3A_947 = vector.extract_strided_slice %get3A_705 {offsets = [14], sizes = [1], strides = [1]} : vector<16xf32> to vector<1xf32>
        %squeeze3A_948 = vector.extract %slice3A_947[0] : f32 from vector<1xf32>
        %mul3A_949 = vector.broadcast %squeeze3A_948 : f32 to vector<16xf32>
        %mul3A_950 = arith.mulf %get3A_946, %mul3A_949 : vector<16xf32>
        %add3A_951 = arith.constant 14 : i32
        %add3A_952 = arith.addi %mul3A_703, %add3A_951 : i32
        %swap3A_953 = arith.index_cast %add3A_952 : i32 to index
        %swap3A_954 = arith.constant 0 : index
        %swap3A_955 = tpu.vector_load %arg7[%swap3A_953, %swap3A_954] {strides = array<i32>} : memref<2048x16xf32, #tpu.memory_space<vmem>>, vector<1x16xf32>,
        %swap3A_956 = vector.shape_cast %swap3A_955 : vector<1x16xf32> to vector<16xf32>
        %swap3A_957 = vector.shape_cast %mul3A_950 : vector<16xf32> to vector<1x16xf32>
        tpu.vector_store %arg7[%swap3A_953, %swap3A_954], %swap3A_957 {strides = array<i32>} : memref<2048x16xf32, #tpu.memory_space<vmem>>, vector<1x16xf32>,
        %add3A_958 = arith.constant 15 : i32
        %add3A_959 = arith.addi %mul3A_703, %add3A_958 : i32
        %get3A_960 = arith.index_cast %add3A_959 : i32 to index
        %get3A_961 = arith.constant 0 : index
        %get3A_962 = tpu.vector_load %arg7[%get3A_960, %get3A_961] {strides = array<i32>} : memref<2048x16xf32, #tpu.memory_space<vmem>>, vector<1x16xf32>,
        %get3A_963 = vector.shape_cast %get3A_962 : vector<1x16xf32> to vector<16xf32>
        %slice3A_964 = vector.extract_strided_slice %get3A_705 {offsets = [15], sizes = [1], strides = [1]} : vector<16xf32> to vector<1xf32>
        %squeeze3A_965 = vector.extract %slice3A_964[0] : f32 from vector<1xf32>
        %mul3A_966 = vector.broadcast %squeeze3A_965 : f32 to vector<16xf32>
        %mul3A_967 = arith.mulf %get3A_963, %mul3A_966 : vector<16xf32>
        %add3A_968 = arith.constant 15 : i32
        %add3A_969 = arith.addi %mul3A_703, %add3A_968 : i32
        %swap3A_970 = arith.index_cast %add3A_969 : i32 to index
        %swap3A_971 = arith.constant 0 : index
        %swap3A_972 = tpu.vector_load %arg7[%swap3A_970, %swap3A_971] {strides = array<i32>} : memref<2048x16xf32, #tpu.memory_space<vmem>>, vector<1x16xf32>,
        %swap3A_973 = vector.shape_cast %swap3A_972 : vector<1x16xf32> to vector<16xf32>
        %swap3A_974 = vector.shape_cast %mul3A_967 : vector<16xf32> to vector<1x16xf32>
        tpu.vector_store %arg7[%swap3A_970, %swap3A_971], %swap3A_974 {strides = array<i32>} : memref<2048x16xf32, #tpu.memory_space<vmem>>, vector<1x16xf32>,
        %scan3A_975 = arith.constant 0 : i32
        scf.yield %scan3A_975 : i32
      }
      %scan3A_378 = arith.constant 128 : i32
      %dma_start3A_379 = arith.constant 0 : i32
      %dma_start3A_380 = arith.constant 0 : i32
      %dma_start3A_381 = arith.constant 0 : i32
      %dma_start3A_382 = tpu.memref_slice %arg7[%dma_start3A_380, %dma_start3A_381] : memref<2048x16xf32, #tpu.memory_space<vmem>> -> memref<128x16xf32, #tpu.memory_space<vmem>>
      %dma_start3A_383 = arith.constant 0 : i32
      %dma_start3A_384 = tpu.memref_slice %arg9[%dma_start3A_379, %dma_start3A_383] : memref<16x128xi32, #tpu.memory_space<vmem>> -> memref<1x128xi32, #tpu.memory_space<vmem>>
      %dma_start3A_385 = tpu.memref_squeeze %dma_start3A_384 : memref<1x128xi32, #tpu.memory_space<vmem>> -> memref<128xi32, #tpu.memory_space<vmem>>
      %dma_start3A_386 = arith.constant 0 : i32
      %dma_start3A_387 = arith.constant 0 : i32
      %dma_start3A_388 = tpu.memref_slice %arg12[%dma_start3A_386, %dma_start3A_387] : memref<16384x16xf32, #tpu.memory_space<vmem_shared>> -> memref<16384x16xf32, #tpu.memory_space<vmem_shared>>
      tpu.enqueue_indirect_dma source(%dma_start3A_382 : memref<128x16xf32, #tpu.memory_space<vmem>>) target(%dma_start3A_388 : memref<16384x16xf32, #tpu.memory_space<vmem_shared>>) offsets(%dma_start3A_385 : memref<128xi32, #tpu.memory_space<vmem>>) semaphore(%arg14 : memref<!tpu.dma_semaphore, #tpu.memory_space<semaphore_mem>>) {add = true}
      %dma_start3A_389 = arith.constant 1 : i32
      %dma_start3A_390 = arith.constant 128 : i32
      %dma_start3A_391 = arith.constant 0 : i32
      %dma_start3A_392 = tpu.memref_slice %arg7[%dma_start3A_390, %dma_start3A_391] : memref<2048x16xf32, #tpu.memory_space<vmem>> -> memref<128x16xf32, #tpu.memory_space<vmem>>
      %dma_start3A_393 = arith.constant 0 : i32
      %dma_start3A_394 = tpu.memref_slice %arg9[%dma_start3A_389, %dma_start3A_393] : memref<16x128xi32, #tpu.memory_space<vmem>> -> memref<1x128xi32, #tpu.memory_space<vmem>>
      %dma_start3A_395 = tpu.memref_squeeze %dma_start3A_394 : memref<1x128xi32, #tpu.memory_space<vmem>> -> memref<128xi32, #tpu.memory_space<vmem>>
      %dma_start3A_396 = arith.constant 0 : i32
      %dma_start3A_397 = arith.constant 0 : i32
      %dma_start3A_398 = tpu.memref_slice %arg12[%dma_start3A_396, %dma_start3A_397] : memref<16384x16xf32, #tpu.memory_space<vmem_shared>> -> memref<16384x16xf32, #tpu.memory_space<vmem_shared>>
      tpu.enqueue_indirect_dma source(%dma_start3A_392 : memref<128x16xf32, #tpu.memory_space<vmem>>) target(%dma_start3A_398 : memref<16384x16xf32, #tpu.memory_space<vmem_shared>>) offsets(%dma_start3A_395 : memref<128xi32, #tpu.memory_space<vmem>>) semaphore(%arg14 : memref<!tpu.dma_semaphore, #tpu.memory_space<semaphore_mem>>) {add = true}
      %dma_start3A_399 = arith.constant 2 : i32
      %dma_start3A_400 = arith.constant 256 : i32
      %dma_start3A_401 = arith.constant 0 : i32
      %dma_start3A_402 = tpu.memref_slice %arg7[%dma_start3A_400, %dma_start3A_401] : memref<2048x16xf32, #tpu.memory_space<vmem>> -> memref<128x16xf32, #tpu.memory_space<vmem>>
      %dma_start3A_403 = arith.constant 0 : i32
      %dma_start3A_404 = tpu.memref_slice %arg9[%dma_start3A_399, %dma_start3A_403] : memref<16x128xi32, #tpu.memory_space<vmem>> -> memref<1x128xi32, #tpu.memory_space<vmem>>
      %dma_start3A_405 = tpu.memref_squeeze %dma_start3A_404 : memref<1x128xi32, #tpu.memory_space<vmem>> -> memref<128xi32, #tpu.memory_space<vmem>>
      %dma_start3A_406 = arith.constant 0 : i32
      %dma_start3A_407 = arith.constant 0 : i32
      %dma_start3A_408 = tpu.memref_slice %arg12[%dma_start3A_406, %dma_start3A_407] : memref<16384x16xf32, #tpu.memory_space<vmem_shared>> -> memref<16384x16xf32, #tpu.memory_space<vmem_shared>>
      tpu.enqueue_indirect_dma source(%dma_start3A_402 : memref<128x16xf32, #tpu.memory_space<vmem>>) target(%dma_start3A_408 : memref<16384x16xf32, #tpu.memory_space<vmem_shared>>) offsets(%dma_start3A_405 : memref<128xi32, #tpu.memory_space<vmem>>) semaphore(%arg14 : memref<!tpu.dma_semaphore, #tpu.memory_space<semaphore_mem>>) {add = true}
      %dma_start3A_409 = arith.constant 3 : i32
      %dma_start3A_410 = arith.constant 384 : i32
      %dma_start3A_411 = arith.constant 0 : i32
      %dma_start3A_412 = tpu.memref_slice %arg7[%dma_start3A_410, %dma_start3A_411] : memref<2048x16xf32, #tpu.memory_space<vmem>> -> memref<128x16xf32, #tpu.memory_space<vmem>>
      %dma_start3A_413 = arith.constant 0 : i32
      %dma_start3A_414 = tpu.memref_slice %arg9[%dma_start3A_409, %dma_start3A_413] : memref<16x128xi32, #tpu.memory_space<vmem>> -> memref<1x128xi32, #tpu.memory_space<vmem>>
      %dma_start3A_415 = tpu.memref_squeeze %dma_start3A_414 : memref<1x128xi32, #tpu.memory_space<vmem>> -> memref<128xi32, #tpu.memory_space<vmem>>
      %dma_start3A_416 = arith.constant 0 : i32
      %dma_start3A_417 = arith.constant 0 : i32
      %dma_start3A_418 = tpu.memref_slice %arg12[%dma_start3A_416, %dma_start3A_417] : memref<16384x16xf32, #tpu.memory_space<vmem_shared>> -> memref<16384x16xf32, #tpu.memory_space<vmem_shared>>
      tpu.enqueue_indirect_dma source(%dma_start3A_412 : memref<128x16xf32, #tpu.memory_space<vmem>>) target(%dma_start3A_418 : memref<16384x16xf32, #tpu.memory_space<vmem_shared>>) offsets(%dma_start3A_415 : memref<128xi32, #tpu.memory_space<vmem>>) semaphore(%arg14 : memref<!tpu.dma_semaphore, #tpu.memory_space<semaphore_mem>>) {add = true}
      %dma_start3A_419 = arith.constant 4 : i32
      %dma_start3A_420 = arith.constant 512 : i32
      %dma_start3A_421 = arith.constant 0 : i32
      %dma_start3A_422 = tpu.memref_slice %arg7[%dma_start3A_420, %dma_start3A_421] : memref<2048x16xf32, #tpu.memory_space<vmem>> -> memref<128x16xf32, #tpu.memory_space<vmem>>
      %dma_start3A_423 = arith.constant 0 : i32
      %dma_start3A_424 = tpu.memref_slice %arg9[%dma_start3A_419, %dma_start3A_423] : memref<16x128xi32, #tpu.memory_space<vmem>> -> memref<1x128xi32, #tpu.memory_space<vmem>>
      %dma_start3A_425 = tpu.memref_squeeze %dma_start3A_424 : memref<1x128xi32, #tpu.memory_space<vmem>> -> memref<128xi32, #tpu.memory_space<vmem>>
      %dma_start3A_426 = arith.constant 0 : i32
      %dma_start3A_427 = arith.constant 0 : i32
      %dma_start3A_428 = tpu.memref_slice %arg12[%dma_start3A_426, %dma_start3A_427] : memref<16384x16xf32, #tpu.memory_space<vmem_shared>> -> memref<16384x16xf32, #tpu.memory_space<vmem_shared>>
      tpu.enqueue_indirect_dma source(%dma_start3A_422 : memref<128x16xf32, #tpu.memory_space<vmem>>) target(%dma_start3A_428 : memref<16384x16xf32, #tpu.memory_space<vmem_shared>>) offsets(%dma_start3A_425 : memref<128xi32, #tpu.memory_space<vmem>>) semaphore(%arg14 : memref<!tpu.dma_semaphore, #tpu.memory_space<semaphore_mem>>) {add = true}
      %dma_start3A_429 = arith.constant 5 : i32
      %dma_start3A_430 = arith.constant 640 : i32
      %dma_start3A_431 = arith.constant 0 : i32
      %dma_start3A_432 = tpu.memref_slice %arg7[%dma_start3A_430, %dma_start3A_431] : memref<2048x16xf32, #tpu.memory_space<vmem>> -> memref<128x16xf32, #tpu.memory_space<vmem>>
      %dma_start3A_433 = arith.constant 0 : i32
      %dma_start3A_434 = tpu.memref_slice %arg9[%dma_start3A_429, %dma_start3A_433] : memref<16x128xi32, #tpu.memory_space<vmem>> -> memref<1x128xi32, #tpu.memory_space<vmem>>
      %dma_start3A_435 = tpu.memref_squeeze %dma_start3A_434 : memref<1x128xi32, #tpu.memory_space<vmem>> -> memref<128xi32, #tpu.memory_space<vmem>>
      %dma_start3A_436 = arith.constant 0 : i32
      %dma_start3A_437 = arith.constant 0 : i32
      %dma_start3A_438 = tpu.memref_slice %arg12[%dma_start3A_436, %dma_start3A_437] : memref<16384x16xf32, #tpu.memory_space<vmem_shared>> -> memref<16384x16xf32, #tpu.memory_space<vmem_shared>>
      tpu.enqueue_indirect_dma source(%dma_start3A_432 : memref<128x16xf32, #tpu.memory_space<vmem>>) target(%dma_start3A_438 : memref<16384x16xf32, #tpu.memory_space<vmem_shared>>) offsets(%dma_start3A_435 : memref<128xi32, #tpu.memory_space<vmem>>) semaphore(%arg14 : memref<!tpu.dma_semaphore, #tpu.memory_space<semaphore_mem>>) {add = true}
      %dma_start3A_439 = arith.constant 6 : i32
      %dma_start3A_440 = arith.constant 768 : i32
      %dma_start3A_441 = arith.constant 0 : i32
      %dma_start3A_442 = tpu.memref_slice %arg7[%dma_start3A_440, %dma_start3A_441] : memref<2048x16xf32, #tpu.memory_space<vmem>> -> memref<128x16xf32, #tpu.memory_space<vmem>>
      %dma_start3A_443 = arith.constant 0 : i32
      %dma_start3A_444 = tpu.memref_slice %arg9[%dma_start3A_439, %dma_start3A_443] : memref<16x128xi32, #tpu.memory_space<vmem>> -> memref<1x128xi32, #tpu.memory_space<vmem>>
      %dma_start3A_445 = tpu.memref_squeeze %dma_start3A_444 : memref<1x128xi32, #tpu.memory_space<vmem>> -> memref<128xi32, #tpu.memory_space<vmem>>
      %dma_start3A_446 = arith.constant 0 : i32
      %dma_start3A_447 = arith.constant 0 : i32
      %dma_start3A_448 = tpu.memref_slice %arg12[%dma_start3A_446, %dma_start3A_447] : memref<16384x16xf32, #tpu.memory_space<vmem_shared>> -> memref<16384x16xf32, #tpu.memory_space<vmem_shared>>
      tpu.enqueue_indirect_dma source(%dma_start3A_442 : memref<128x16xf32, #tpu.memory_space<vmem>>) target(%dma_start3A_448 : memref<16384x16xf32, #tpu.memory_space<vmem_shared>>) offsets(%dma_start3A_445 : memref<128xi32, #tpu.memory_space<vmem>>) semaphore(%arg14 : memref<!tpu.dma_semaphore, #tpu.memory_space<semaphore_mem>>) {add = true}
      %dma_start3A_449 = arith.constant 7 : i32
      %dma_start3A_450 = arith.constant 896 : i32
      %dma_start3A_451 = arith.constant 0 : i32
      %dma_start3A_452 = tpu.memref_slice %arg7[%dma_start3A_450, %dma_start3A_451] : memref<2048x16xf32, #tpu.memory_space<vmem>> -> memref<128x16xf32, #tpu.memory_space<vmem>>
      %dma_start3A_453 = arith.constant 0 : i32
      %dma_start3A_454 = tpu.memref_slice %arg9[%dma_start3A_449, %dma_start3A_453] : memref<16x128xi32, #tpu.memory_space<vmem>> -> memref<1x128xi32, #tpu.memory_space<vmem>>
      %dma_start3A_455 = tpu.memref_squeeze %dma_start3A_454 : memref<1x128xi32, #tpu.memory_space<vmem>> -> memref<128xi32, #tpu.memory_space<vmem>>
      %dma_start3A_456 = arith.constant 0 : i32
      %dma_start3A_457 = arith.constant 0 : i32
      %dma_start3A_458 = tpu.memref_slice %arg12[%dma_start3A_456, %dma_start3A_457] : memref<16384x16xf32, #tpu.memory_space<vmem_shared>> -> memref<16384x16xf32, #tpu.memory_space<vmem_shared>>
      tpu.enqueue_indirect_dma source(%dma_start3A_452 : memref<128x16xf32, #tpu.memory_space<vmem>>) target(%dma_start3A_458 : memref<16384x16xf32, #tpu.memory_space<vmem_shared>>) offsets(%dma_start3A_455 : memref<128xi32, #tpu.memory_space<vmem>>) semaphore(%arg14 : memref<!tpu.dma_semaphore, #tpu.memory_space<semaphore_mem>>) {add = true}
      %dma_start3A_459 = arith.constant 8 : i32
      %dma_start3A_460 = arith.constant 1024 : i32
      %dma_start3A_461 = arith.constant 0 : i32
      %dma_start3A_462 = tpu.memref_slice %arg7[%dma_start3A_460, %dma_start3A_461] : memref<2048x16xf32, #tpu.memory_space<vmem>> -> memref<128x16xf32, #tpu.memory_space<vmem>>
      %dma_start3A_463 = arith.constant 0 : i32
      %dma_start3A_464 = tpu.memref_slice %arg9[%dma_start3A_459, %dma_start3A_463] : memref<16x128xi32, #tpu.memory_space<vmem>> -> memref<1x128xi32, #tpu.memory_space<vmem>>
      %dma_start3A_465 = tpu.memref_squeeze %dma_start3A_464 : memref<1x128xi32, #tpu.memory_space<vmem>> -> memref<128xi32, #tpu.memory_space<vmem>>
      %dma_start3A_466 = arith.constant 0 : i32
      %dma_start3A_467 = arith.constant 0 : i32
      %dma_start3A_468 = tpu.memref_slice %arg12[%dma_start3A_466, %dma_start3A_467] : memref<16384x16xf32, #tpu.memory_space<vmem_shared>> -> memref<16384x16xf32, #tpu.memory_space<vmem_shared>>
      tpu.enqueue_indirect_dma source(%dma_start3A_462 : memref<128x16xf32, #tpu.memory_space<vmem>>) target(%dma_start3A_468 : memref<16384x16xf32, #tpu.memory_space<vmem_shared>>) offsets(%dma_start3A_465 : memref<128xi32, #tpu.memory_space<vmem>>) semaphore(%arg14 : memref<!tpu.dma_semaphore, #tpu.memory_space<semaphore_mem>>) {add = true}
      %dma_start3A_469 = arith.constant 9 : i32
      %dma_start3A_470 = arith.constant 1152 : i32
      %dma_start3A_471 = arith.constant 0 : i32
      %dma_start3A_472 = tpu.memref_slice %arg7[%dma_start3A_470, %dma_start3A_471] : memref<2048x16xf32, #tpu.memory_space<vmem>> -> memref<128x16xf32, #tpu.memory_space<vmem>>
      %dma_start3A_473 = arith.constant 0 : i32
      %dma_start3A_474 = tpu.memref_slice %arg9[%dma_start3A_469, %dma_start3A_473] : memref<16x128xi32, #tpu.memory_space<vmem>> -> memref<1x128xi32, #tpu.memory_space<vmem>>
      %dma_start3A_475 = tpu.memref_squeeze %dma_start3A_474 : memref<1x128xi32, #tpu.memory_space<vmem>> -> memref<128xi32, #tpu.memory_space<vmem>>
      %dma_start3A_476 = arith.constant 0 : i32
      %dma_start3A_477 = arith.constant 0 : i32
      %dma_start3A_478 = tpu.memref_slice %arg12[%dma_start3A_476, %dma_start3A_477] : memref<16384x16xf32, #tpu.memory_space<vmem_shared>> -> memref<16384x16xf32, #tpu.memory_space<vmem_shared>>
      tpu.enqueue_indirect_dma source(%dma_start3A_472 : memref<128x16xf32, #tpu.memory_space<vmem>>) target(%dma_start3A_478 : memref<16384x16xf32, #tpu.memory_space<vmem_shared>>) offsets(%dma_start3A_475 : memref<128xi32, #tpu.memory_space<vmem>>) semaphore(%arg14 : memref<!tpu.dma_semaphore, #tpu.memory_space<semaphore_mem>>) {add = true}
      %dma_start3A_479 = arith.constant 10 : i32
      %dma_start3A_480 = arith.constant 1280 : i32
      %dma_start3A_481 = arith.constant 0 : i32
      %dma_start3A_482 = tpu.memref_slice %arg7[%dma_start3A_480, %dma_start3A_481] : memref<2048x16xf32, #tpu.memory_space<vmem>> -> memref<128x16xf32, #tpu.memory_space<vmem>>
      %dma_start3A_483 = arith.constant 0 : i32
      %dma_start3A_484 = tpu.memref_slice %arg9[%dma_start3A_479, %dma_start3A_483] : memref<16x128xi32, #tpu.memory_space<vmem>> -> memref<1x128xi32, #tpu.memory_space<vmem>>
      %dma_start3A_485 = tpu.memref_squeeze %dma_start3A_484 : memref<1x128xi32, #tpu.memory_space<vmem>> -> memref<128xi32, #tpu.memory_space<vmem>>
      %dma_start3A_486 = arith.constant 0 : i32
      %dma_start3A_487 = arith.constant 0 : i32
      %dma_start3A_488 = tpu.memref_slice %arg12[%dma_start3A_486, %dma_start3A_487] : memref<16384x16xf32, #tpu.memory_space<vmem_shared>> -> memref<16384x16xf32, #tpu.memory_space<vmem_shared>>
      tpu.enqueue_indirect_dma source(%dma_start3A_482 : memref<128x16xf32, #tpu.memory_space<vmem>>) target(%dma_start3A_488 : memref<16384x16xf32, #tpu.memory_space<vmem_shared>>) offsets(%dma_start3A_485 : memref<128xi32, #tpu.memory_space<vmem>>) semaphore(%arg14 : memref<!tpu.dma_semaphore, #tpu.memory_space<semaphore_mem>>) {add = true}
      %dma_start3A_489 = arith.constant 11 : i32
      %dma_start3A_490 = arith.constant 1408 : i32
      %dma_start3A_491 = arith.constant 0 : i32
      %dma_start3A_492 = tpu.memref_slice %arg7[%dma_start3A_490, %dma_start3A_491] : memref<2048x16xf32, #tpu.memory_space<vmem>> -> memref<128x16xf32, #tpu.memory_space<vmem>>
      %dma_start3A_493 = arith.constant 0 : i32
      %dma_start3A_494 = tpu.memref_slice %arg9[%dma_start3A_489, %dma_start3A_493] : memref<16x128xi32, #tpu.memory_space<vmem>> -> memref<1x128xi32, #tpu.memory_space<vmem>>
      %dma_start3A_495 = tpu.memref_squeeze %dma_start3A_494 : memref<1x128xi32, #tpu.memory_space<vmem>> -> memref<128xi32, #tpu.memory_space<vmem>>
      %dma_start3A_496 = arith.constant 0 : i32
      %dma_start3A_497 = arith.constant 0 : i32
      %dma_start3A_498 = tpu.memref_slice %arg12[%dma_start3A_496, %dma_start3A_497] : memref<16384x16xf32, #tpu.memory_space<vmem_shared>> -> memref<16384x16xf32, #tpu.memory_space<vmem_shared>>
      tpu.enqueue_indirect_dma source(%dma_start3A_492 : memref<128x16xf32, #tpu.memory_space<vmem>>) target(%dma_start3A_498 : memref<16384x16xf32, #tpu.memory_space<vmem_shared>>) offsets(%dma_start3A_495 : memref<128xi32, #tpu.memory_space<vmem>>) semaphore(%arg14 : memref<!tpu.dma_semaphore, #tpu.memory_space<semaphore_mem>>) {add = true}
      %dma_start3A_499 = arith.constant 12 : i32
      %dma_start3A_500 = arith.constant 1536 : i32
      %dma_start3A_501 = arith.constant 0 : i32
      %dma_start3A_502 = tpu.memref_slice %arg7[%dma_start3A_500, %dma_start3A_501] : memref<2048x16xf32, #tpu.memory_space<vmem>> -> memref<128x16xf32, #tpu.memory_space<vmem>>
      %dma_start3A_503 = arith.constant 0 : i32
      %dma_start3A_504 = tpu.memref_slice %arg9[%dma_start3A_499, %dma_start3A_503] : memref<16x128xi32, #tpu.memory_space<vmem>> -> memref<1x128xi32, #tpu.memory_space<vmem>>
      %dma_start3A_505 = tpu.memref_squeeze %dma_start3A_504 : memref<1x128xi32, #tpu.memory_space<vmem>> -> memref<128xi32, #tpu.memory_space<vmem>>
      %dma_start3A_506 = arith.constant 0 : i32
      %dma_start3A_507 = arith.constant 0 : i32
      %dma_start3A_508 = tpu.memref_slice %arg12[%dma_start3A_506, %dma_start3A_507] : memref<16384x16xf32, #tpu.memory_space<vmem_shared>> -> memref<16384x16xf32, #tpu.memory_space<vmem_shared>>
      tpu.enqueue_indirect_dma source(%dma_start3A_502 : memref<128x16xf32, #tpu.memory_space<vmem>>) target(%dma_start3A_508 : memref<16384x16xf32, #tpu.memory_space<vmem_shared>>) offsets(%dma_start3A_505 : memref<128xi32, #tpu.memory_space<vmem>>) semaphore(%arg14 : memref<!tpu.dma_semaphore, #tpu.memory_space<semaphore_mem>>) {add = true}
      %dma_start3A_509 = arith.constant 13 : i32
      %dma_start3A_510 = arith.constant 1664 : i32
      %dma_start3A_511 = arith.constant 0 : i32
      %dma_start3A_512 = tpu.memref_slice %arg7[%dma_start3A_510, %dma_start3A_511] : memref<2048x16xf32, #tpu.memory_space<vmem>> -> memref<128x16xf32, #tpu.memory_space<vmem>>
      %dma_start3A_513 = arith.constant 0 : i32
      %dma_start3A_514 = tpu.memref_slice %arg9[%dma_start3A_509, %dma_start3A_513] : memref<16x128xi32, #tpu.memory_space<vmem>> -> memref<1x128xi32, #tpu.memory_space<vmem>>
      %dma_start3A_515 = tpu.memref_squeeze %dma_start3A_514 : memref<1x128xi32, #tpu.memory_space<vmem>> -> memref<128xi32, #tpu.memory_space<vmem>>
      %dma_start3A_516 = arith.constant 0 : i32
      %dma_start3A_517 = arith.constant 0 : i32
      %dma_start3A_518 = tpu.memref_slice %arg12[%dma_start3A_516, %dma_start3A_517] : memref<16384x16xf32, #tpu.memory_space<vmem_shared>> -> memref<16384x16xf32, #tpu.memory_space<vmem_shared>>
      tpu.enqueue_indirect_dma source(%dma_start3A_512 : memref<128x16xf32, #tpu.memory_space<vmem>>) target(%dma_start3A_518 : memref<16384x16xf32, #tpu.memory_space<vmem_shared>>) offsets(%dma_start3A_515 : memref<128xi32, #tpu.memory_space<vmem>>) semaphore(%arg14 : memref<!tpu.dma_semaphore, #tpu.memory_space<semaphore_mem>>) {add = true}
      %dma_start3A_519 = arith.constant 14 : i32
      %dma_start3A_520 = arith.constant 1792 : i32
      %dma_start3A_521 = arith.constant 0 : i32
      %dma_start3A_522 = tpu.memref_slice %arg7[%dma_start3A_520, %dma_start3A_521] : memref<2048x16xf32, #tpu.memory_space<vmem>> -> memref<128x16xf32, #tpu.memory_space<vmem>>
      %dma_start3A_523 = arith.constant 0 : i32
      %dma_start3A_524 = tpu.memref_slice %arg9[%dma_start3A_519, %dma_start3A_523] : memref<16x128xi32, #tpu.memory_space<vmem>> -> memref<1x128xi32, #tpu.memory_space<vmem>>
      %dma_start3A_525 = tpu.memref_squeeze %dma_start3A_524 : memref<1x128xi32, #tpu.memory_space<vmem>> -> memref<128xi32, #tpu.memory_space<vmem>>
      %dma_start3A_526 = arith.constant 0 : i32
      %dma_start3A_527 = arith.constant 0 : i32
      %dma_start3A_528 = tpu.memref_slice %arg12[%dma_start3A_526, %dma_start3A_527] : memref<16384x16xf32, #tpu.memory_space<vmem_shared>> -> memref<16384x16xf32, #tpu.memory_space<vmem_shared>>
      tpu.enqueue_indirect_dma source(%dma_start3A_522 : memref<128x16xf32, #tpu.memory_space<vmem>>) target(%dma_start3A_528 : memref<16384x16xf32, #tpu.memory_space<vmem_shared>>) offsets(%dma_start3A_525 : memref<128xi32, #tpu.memory_space<vmem>>) semaphore(%arg14 : memref<!tpu.dma_semaphore, #tpu.memory_space<semaphore_mem>>) {add = true}
      %dma_start3A_529 = arith.constant 15 : i32
      %dma_start3A_530 = arith.constant 1920 : i32
      %dma_start3A_531 = arith.constant 0 : i32
      %dma_start3A_532 = tpu.memref_slice %arg7[%dma_start3A_530, %dma_start3A_531] : memref<2048x16xf32, #tpu.memory_space<vmem>> -> memref<128x16xf32, #tpu.memory_space<vmem>>
      %dma_start3A_533 = arith.constant 0 : i32
      %dma_start3A_534 = tpu.memref_slice %arg9[%dma_start3A_529, %dma_start3A_533] : memref<16x128xi32, #tpu.memory_space<vmem>> -> memref<1x128xi32, #tpu.memory_space<vmem>>
      %dma_start3A_535 = tpu.memref_squeeze %dma_start3A_534 : memref<1x128xi32, #tpu.memory_space<vmem>> -> memref<128xi32, #tpu.memory_space<vmem>>
      %dma_start3A_536 = arith.constant 0 : i32
      %dma_start3A_537 = arith.constant 0 : i32
      %dma_start3A_538 = tpu.memref_slice %arg12[%dma_start3A_536, %dma_start3A_537] : memref<16384x16xf32, #tpu.memory_space<vmem_shared>> -> memref<16384x16xf32, #tpu.memory_space<vmem_shared>>
      tpu.enqueue_indirect_dma source(%dma_start3A_532 : memref<128x16xf32, #tpu.memory_space<vmem>>) target(%dma_start3A_538 : memref<16384x16xf32, #tpu.memory_space<vmem_shared>>) offsets(%dma_start3A_535 : memref<128xi32, #tpu.memory_space<vmem>>) semaphore(%arg14 : memref<!tpu.dma_semaphore, #tpu.memory_space<semaphore_mem>>) {add = true}
      %dma_wait3A_539 = arith.constant 0 : i32
      %dma_wait3A_540 = arith.constant 0 : i32
      %dma_wait3A_541 = arith.constant 0 : i32
      %dma_wait3A_542 = tpu.memref_slice %arg7[%dma_wait3A_540, %dma_wait3A_541] : memref<2048x16xf32, #tpu.memory_space<vmem>> -> memref<128x16xf32, #tpu.memory_space<vmem>>
      %dma_wait3A_543 = arith.constant 0 : i32
      %dma_wait3A_544 = tpu.memref_slice %arg9[%dma_wait3A_539, %dma_wait3A_543] : memref<16x128xi32, #tpu.memory_space<vmem>> -> memref<1x128xi32, #tpu.memory_space<vmem>>
      %dma_wait3A_545 = tpu.memref_squeeze %dma_wait3A_544 : memref<1x128xi32, #tpu.memory_space<vmem>> -> memref<128xi32, #tpu.memory_space<vmem>>
      %dma_wait3A_546 = arith.constant 0 : i32
      %dma_wait3A_547 = arith.constant 0 : i32
      %dma_wait3A_548 = tpu.memref_slice %arg12[%dma_wait3A_546, %dma_wait3A_547] : memref<16384x16xf32, #tpu.memory_space<vmem_shared>> -> memref<16384x16xf32, #tpu.memory_space<vmem_shared>>
      tpu.wait_indirect_dma semaphore(%arg14 : memref<!tpu.dma_semaphore, #tpu.memory_space<semaphore_mem>>) src(%dma_wait3A_542 : memref<128x16xf32, #tpu.memory_space<vmem>>) dst(%dma_wait3A_548 : memref<16384x16xf32, #tpu.memory_space<vmem_shared>>)
      %dma_wait3A_549 = arith.constant 1 : i32
      %dma_wait3A_550 = arith.constant 128 : i32
      %dma_wait3A_551 = arith.constant 0 : i32
      %dma_wait3A_552 = tpu.memref_slice %arg7[%dma_wait3A_550, %dma_wait3A_551] : memref<2048x16xf32, #tpu.memory_space<vmem>> -> memref<128x16xf32, #tpu.memory_space<vmem>>
      %dma_wait3A_553 = arith.constant 0 : i32
      %dma_wait3A_554 = tpu.memref_slice %arg9[%dma_wait3A_549, %dma_wait3A_553] : memref<16x128xi32, #tpu.memory_space<vmem>> -> memref<1x128xi32, #tpu.memory_space<vmem>>
      %dma_wait3A_555 = tpu.memref_squeeze %dma_wait3A_554 : memref<1x128xi32, #tpu.memory_space<vmem>> -> memref<128xi32, #tpu.memory_space<vmem>>
      %dma_wait3A_556 = arith.constant 0 : i32
      %dma_wait3A_557 = arith.constant 0 : i32
      %dma_wait3A_558 = tpu.memref_slice %arg12[%dma_wait3A_556, %dma_wait3A_557] : memref<16384x16xf32, #tpu.memory_space<vmem_shared>> -> memref<16384x16xf32, #tpu.memory_space<vmem_shared>>
      tpu.wait_indirect_dma semaphore(%arg14 : memref<!tpu.dma_semaphore, #tpu.memory_space<semaphore_mem>>) src(%dma_wait3A_552 : memref<128x16xf32, #tpu.memory_space<vmem>>) dst(%dma_wait3A_558 : memref<16384x16xf32, #tpu.memory_space<vmem_shared>>)
      %dma_wait3A_559 = arith.constant 2 : i32
      %dma_wait3A_560 = arith.constant 256 : i32
      %dma_wait3A_561 = arith.constant 0 : i32
      %dma_wait3A_562 = tpu.memref_slice %arg7[%dma_wait3A_560, %dma_wait3A_561] : memref<2048x16xf32, #tpu.memory_space<vmem>> -> memref<128x16xf32, #tpu.memory_space<vmem>>
      %dma_wait3A_563 = arith.constant 0 : i32
      %dma_wait3A_564 = tpu.memref_slice %arg9[%dma_wait3A_559, %dma_wait3A_563] : memref<16x128xi32, #tpu.memory_space<vmem>> -> memref<1x128xi32, #tpu.memory_space<vmem>>
      %dma_wait3A_565 = tpu.memref_squeeze %dma_wait3A_564 : memref<1x128xi32, #tpu.memory_space<vmem>> -> memref<128xi32, #tpu.memory_space<vmem>>
      %dma_wait3A_566 = arith.constant 0 : i32
      %dma_wait3A_567 = arith.constant 0 : i32
      %dma_wait3A_568 = tpu.memref_slice %arg12[%dma_wait3A_566, %dma_wait3A_567] : memref<16384x16xf32, #tpu.memory_space<vmem_shared>> -> memref<16384x16xf32, #tpu.memory_space<vmem_shared>>
      tpu.wait_indirect_dma semaphore(%arg14 : memref<!tpu.dma_semaphore, #tpu.memory_space<semaphore_mem>>) src(%dma_wait3A_562 : memref<128x16xf32, #tpu.memory_space<vmem>>) dst(%dma_wait3A_568 : memref<16384x16xf32, #tpu.memory_space<vmem_shared>>)
      %dma_wait3A_569 = arith.constant 3 : i32
      %dma_wait3A_570 = arith.constant 384 : i32
      %dma_wait3A_571 = arith.constant 0 : i32
      %dma_wait3A_572 = tpu.memref_slice %arg7[%dma_wait3A_570, %dma_wait3A_571] : memref<2048x16xf32, #tpu.memory_space<vmem>> -> memref<128x16xf32, #tpu.memory_space<vmem>>
      %dma_wait3A_573 = arith.constant 0 : i32
      %dma_wait3A_574 = tpu.memref_slice %arg9[%dma_wait3A_569, %dma_wait3A_573] : memref<16x128xi32, #tpu.memory_space<vmem>> -> memref<1x128xi32, #tpu.memory_space<vmem>>
      %dma_wait3A_575 = tpu.memref_squeeze %dma_wait3A_574 : memref<1x128xi32, #tpu.memory_space<vmem>> -> memref<128xi32, #tpu.memory_space<vmem>>
      %dma_wait3A_576 = arith.constant 0 : i32
      %dma_wait3A_577 = arith.constant 0 : i32
      %dma_wait3A_578 = tpu.memref_slice %arg12[%dma_wait3A_576, %dma_wait3A_577] : memref<16384x16xf32, #tpu.memory_space<vmem_shared>> -> memref<16384x16xf32, #tpu.memory_space<vmem_shared>>
      tpu.wait_indirect_dma semaphore(%arg14 : memref<!tpu.dma_semaphore, #tpu.memory_space<semaphore_mem>>) src(%dma_wait3A_572 : memref<128x16xf32, #tpu.memory_space<vmem>>) dst(%dma_wait3A_578 : memref<16384x16xf32, #tpu.memory_space<vmem_shared>>)
      %dma_wait3A_579 = arith.constant 4 : i32
      %dma_wait3A_580 = arith.constant 512 : i32
      %dma_wait3A_581 = arith.constant 0 : i32
      %dma_wait3A_582 = tpu.memref_slice %arg7[%dma_wait3A_580, %dma_wait3A_581] : memref<2048x16xf32, #tpu.memory_space<vmem>> -> memref<128x16xf32, #tpu.memory_space<vmem>>
      %dma_wait3A_583 = arith.constant 0 : i32
      %dma_wait3A_584 = tpu.memref_slice %arg9[%dma_wait3A_579, %dma_wait3A_583] : memref<16x128xi32, #tpu.memory_space<vmem>> -> memref<1x128xi32, #tpu.memory_space<vmem>>
      %dma_wait3A_585 = tpu.memref_squeeze %dma_wait3A_584 : memref<1x128xi32, #tpu.memory_space<vmem>> -> memref<128xi32, #tpu.memory_space<vmem>>
      %dma_wait3A_586 = arith.constant 0 : i32
      %dma_wait3A_587 = arith.constant 0 : i32
      %dma_wait3A_588 = tpu.memref_slice %arg12[%dma_wait3A_586, %dma_wait3A_587] : memref<16384x16xf32, #tpu.memory_space<vmem_shared>> -> memref<16384x16xf32, #tpu.memory_space<vmem_shared>>
      tpu.wait_indirect_dma semaphore(%arg14 : memref<!tpu.dma_semaphore, #tpu.memory_space<semaphore_mem>>) src(%dma_wait3A_582 : memref<128x16xf32, #tpu.memory_space<vmem>>) dst(%dma_wait3A_588 : memref<16384x16xf32, #tpu.memory_space<vmem_shared>>)
      %dma_wait3A_589 = arith.constant 5 : i32
      %dma_wait3A_590 = arith.constant 640 : i32
      %dma_wait3A_591 = arith.constant 0 : i32
      %dma_wait3A_592 = tpu.memref_slice %arg7[%dma_wait3A_590, %dma_wait3A_591] : memref<2048x16xf32, #tpu.memory_space<vmem>> -> memref<128x16xf32, #tpu.memory_space<vmem>>
      %dma_wait3A_593 = arith.constant 0 : i32
      %dma_wait3A_594 = tpu.memref_slice %arg9[%dma_wait3A_589, %dma_wait3A_593] : memref<16x128xi32, #tpu.memory_space<vmem>> -> memref<1x128xi32, #tpu.memory_space<vmem>>
      %dma_wait3A_595 = tpu.memref_squeeze %dma_wait3A_594 : memref<1x128xi32, #tpu.memory_space<vmem>> -> memref<128xi32, #tpu.memory_space<vmem>>
      %dma_wait3A_596 = arith.constant 0 : i32
      %dma_wait3A_597 = arith.constant 0 : i32
      %dma_wait3A_598 = tpu.memref_slice %arg12[%dma_wait3A_596, %dma_wait3A_597] : memref<16384x16xf32, #tpu.memory_space<vmem_shared>> -> memref<16384x16xf32, #tpu.memory_space<vmem_shared>>
      tpu.wait_indirect_dma semaphore(%arg14 : memref<!tpu.dma_semaphore, #tpu.memory_space<semaphore_mem>>) src(%dma_wait3A_592 : memref<128x16xf32, #tpu.memory_space<vmem>>) dst(%dma_wait3A_598 : memref<16384x16xf32, #tpu.memory_space<vmem_shared>>)
      %dma_wait3A_599 = arith.constant 6 : i32
      %dma_wait3A_600 = arith.constant 768 : i32
      %dma_wait3A_601 = arith.constant 0 : i32
      %dma_wait3A_602 = tpu.memref_slice %arg7[%dma_wait3A_600, %dma_wait3A_601] : memref<2048x16xf32, #tpu.memory_space<vmem>> -> memref<128x16xf32, #tpu.memory_space<vmem>>
      %dma_wait3A_603 = arith.constant 0 : i32
      %dma_wait3A_604 = tpu.memref_slice %arg9[%dma_wait3A_599, %dma_wait3A_603] : memref<16x128xi32, #tpu.memory_space<vmem>> -> memref<1x128xi32, #tpu.memory_space<vmem>>
      %dma_wait3A_605 = tpu.memref_squeeze %dma_wait3A_604 : memref<1x128xi32, #tpu.memory_space<vmem>> -> memref<128xi32, #tpu.memory_space<vmem>>
      %dma_wait3A_606 = arith.constant 0 : i32
      %dma_wait3A_607 = arith.constant 0 : i32
      %dma_wait3A_608 = tpu.memref_slice %arg12[%dma_wait3A_606, %dma_wait3A_607] : memref<16384x16xf32, #tpu.memory_space<vmem_shared>> -> memref<16384x16xf32, #tpu.memory_space<vmem_shared>>
      tpu.wait_indirect_dma semaphore(%arg14 : memref<!tpu.dma_semaphore, #tpu.memory_space<semaphore_mem>>) src(%dma_wait3A_602 : memref<128x16xf32, #tpu.memory_space<vmem>>) dst(%dma_wait3A_608 : memref<16384x16xf32, #tpu.memory_space<vmem_shared>>)
      %dma_wait3A_609 = arith.constant 7 : i32
      %dma_wait3A_610 = arith.constant 896 : i32
      %dma_wait3A_611 = arith.constant 0 : i32
      %dma_wait3A_612 = tpu.memref_slice %arg7[%dma_wait3A_610, %dma_wait3A_611] : memref<2048x16xf32, #tpu.memory_space<vmem>> -> memref<128x16xf32, #tpu.memory_space<vmem>>
      %dma_wait3A_613 = arith.constant 0 : i32
      %dma_wait3A_614 = tpu.memref_slice %arg9[%dma_wait3A_609, %dma_wait3A_613] : memref<16x128xi32, #tpu.memory_space<vmem>> -> memref<1x128xi32, #tpu.memory_space<vmem>>
      %dma_wait3A_615 = tpu.memref_squeeze %dma_wait3A_614 : memref<1x128xi32, #tpu.memory_space<vmem>> -> memref<128xi32, #tpu.memory_space<vmem>>
      %dma_wait3A_616 = arith.constant 0 : i32
      %dma_wait3A_617 = arith.constant 0 : i32
      %dma_wait3A_618 = tpu.memref_slice %arg12[%dma_wait3A_616, %dma_wait3A_617] : memref<16384x16xf32, #tpu.memory_space<vmem_shared>> -> memref<16384x16xf32, #tpu.memory_space<vmem_shared>>
      tpu.wait_indirect_dma semaphore(%arg14 : memref<!tpu.dma_semaphore, #tpu.memory_space<semaphore_mem>>) src(%dma_wait3A_612 : memref<128x16xf32, #tpu.memory_space<vmem>>) dst(%dma_wait3A_618 : memref<16384x16xf32, #tpu.memory_space<vmem_shared>>)
      %dma_wait3A_619 = arith.constant 8 : i32
      %dma_wait3A_620 = arith.constant 1024 : i32
      %dma_wait3A_621 = arith.constant 0 : i32
      %dma_wait3A_622 = tpu.memref_slice %arg7[%dma_wait3A_620, %dma_wait3A_621] : memref<2048x16xf32, #tpu.memory_space<vmem>> -> memref<128x16xf32, #tpu.memory_space<vmem>>
      %dma_wait3A_623 = arith.constant 0 : i32
      %dma_wait3A_624 = tpu.memref_slice %arg9[%dma_wait3A_619, %dma_wait3A_623] : memref<16x128xi32, #tpu.memory_space<vmem>> -> memref<1x128xi32, #tpu.memory_space<vmem>>
      %dma_wait3A_625 = tpu.memref_squeeze %dma_wait3A_624 : memref<1x128xi32, #tpu.memory_space<vmem>> -> memref<128xi32, #tpu.memory_space<vmem>>
      %dma_wait3A_626 = arith.constant 0 : i32
      %dma_wait3A_627 = arith.constant 0 : i32
      %dma_wait3A_628 = tpu.memref_slice %arg12[%dma_wait3A_626, %dma_wait3A_627] : memref<16384x16xf32, #tpu.memory_space<vmem_shared>> -> memref<16384x16xf32, #tpu.memory_space<vmem_shared>>
      tpu.wait_indirect_dma semaphore(%arg14 : memref<!tpu.dma_semaphore, #tpu.memory_space<semaphore_mem>>) src(%dma_wait3A_622 : memref<128x16xf32, #tpu.memory_space<vmem>>) dst(%dma_wait3A_628 : memref<16384x16xf32, #tpu.memory_space<vmem_shared>>)
      %dma_wait3A_629 = arith.constant 9 : i32
      %dma_wait3A_630 = arith.constant 1152 : i32
      %dma_wait3A_631 = arith.constant 0 : i32
      %dma_wait3A_632 = tpu.memref_slice %arg7[%dma_wait3A_630, %dma_wait3A_631] : memref<2048x16xf32, #tpu.memory_space<vmem>> -> memref<128x16xf32, #tpu.memory_space<vmem>>
      %dma_wait3A_633 = arith.constant 0 : i32
      %dma_wait3A_634 = tpu.memref_slice %arg9[%dma_wait3A_629, %dma_wait3A_633] : memref<16x128xi32, #tpu.memory_space<vmem>> -> memref<1x128xi32, #tpu.memory_space<vmem>>
      %dma_wait3A_635 = tpu.memref_squeeze %dma_wait3A_634 : memref<1x128xi32, #tpu.memory_space<vmem>> -> memref<128xi32, #tpu.memory_space<vmem>>
      %dma_wait3A_636 = arith.constant 0 : i32
      %dma_wait3A_637 = arith.constant 0 : i32
      %dma_wait3A_638 = tpu.memref_slice %arg12[%dma_wait3A_636, %dma_wait3A_637] : memref<16384x16xf32, #tpu.memory_space<vmem_shared>> -> memref<16384x16xf32, #tpu.memory_space<vmem_shared>>
      tpu.wait_indirect_dma semaphore(%arg14 : memref<!tpu.dma_semaphore, #tpu.memory_space<semaphore_mem>>) src(%dma_wait3A_632 : memref<128x16xf32, #tpu.memory_space<vmem>>) dst(%dma_wait3A_638 : memref<16384x16xf32, #tpu.memory_space<vmem_shared>>)
      %dma_wait3A_639 = arith.constant 10 : i32
      %dma_wait3A_640 = arith.constant 1280 : i32
      %dma_wait3A_641 = arith.constant 0 : i32
      %dma_wait3A_642 = tpu.memref_slice %arg7[%dma_wait3A_640, %dma_wait3A_641] : memref<2048x16xf32, #tpu.memory_space<vmem>> -> memref<128x16xf32, #tpu.memory_space<vmem>>
      %dma_wait3A_643 = arith.constant 0 : i32
      %dma_wait3A_644 = tpu.memref_slice %arg9[%dma_wait3A_639, %dma_wait3A_643] : memref<16x128xi32, #tpu.memory_space<vmem>> -> memref<1x128xi32, #tpu.memory_space<vmem>>
      %dma_wait3A_645 = tpu.memref_squeeze %dma_wait3A_644 : memref<1x128xi32, #tpu.memory_space<vmem>> -> memref<128xi32, #tpu.memory_space<vmem>>
      %dma_wait3A_646 = arith.constant 0 : i32
      %dma_wait3A_647 = arith.constant 0 : i32
      %dma_wait3A_648 = tpu.memref_slice %arg12[%dma_wait3A_646, %dma_wait3A_647] : memref<16384x16xf32, #tpu.memory_space<vmem_shared>> -> memref<16384x16xf32, #tpu.memory_space<vmem_shared>>
      tpu.wait_indirect_dma semaphore(%arg14 : memref<!tpu.dma_semaphore, #tpu.memory_space<semaphore_mem>>) src(%dma_wait3A_642 : memref<128x16xf32, #tpu.memory_space<vmem>>) dst(%dma_wait3A_648 : memref<16384x16xf32, #tpu.memory_space<vmem_shared>>)
      %dma_wait3A_649 = arith.constant 11 : i32
      %dma_wait3A_650 = arith.constant 1408 : i32
      %dma_wait3A_651 = arith.constant 0 : i32
      %dma_wait3A_652 = tpu.memref_slice %arg7[%dma_wait3A_650, %dma_wait3A_651] : memref<2048x16xf32, #tpu.memory_space<vmem>> -> memref<128x16xf32, #tpu.memory_space<vmem>>
      %dma_wait3A_653 = arith.constant 0 : i32
      %dma_wait3A_654 = tpu.memref_slice %arg9[%dma_wait3A_649, %dma_wait3A_653] : memref<16x128xi32, #tpu.memory_space<vmem>> -> memref<1x128xi32, #tpu.memory_space<vmem>>
      %dma_wait3A_655 = tpu.memref_squeeze %dma_wait3A_654 : memref<1x128xi32, #tpu.memory_space<vmem>> -> memref<128xi32, #tpu.memory_space<vmem>>
      %dma_wait3A_656 = arith.constant 0 : i32
      %dma_wait3A_657 = arith.constant 0 : i32
      %dma_wait3A_658 = tpu.memref_slice %arg12[%dma_wait3A_656, %dma_wait3A_657] : memref<16384x16xf32, #tpu.memory_space<vmem_shared>> -> memref<16384x16xf32, #tpu.memory_space<vmem_shared>>
      tpu.wait_indirect_dma semaphore(%arg14 : memref<!tpu.dma_semaphore, #tpu.memory_space<semaphore_mem>>) src(%dma_wait3A_652 : memref<128x16xf32, #tpu.memory_space<vmem>>) dst(%dma_wait3A_658 : memref<16384x16xf32, #tpu.memory_space<vmem_shared>>)
      %dma_wait3A_659 = arith.constant 12 : i32
      %dma_wait3A_660 = arith.constant 1536 : i32
      %dma_wait3A_661 = arith.constant 0 : i32
      %dma_wait3A_662 = tpu.memref_slice %arg7[%dma_wait3A_660, %dma_wait3A_661] : memref<2048x16xf32, #tpu.memory_space<vmem>> -> memref<128x16xf32, #tpu.memory_space<vmem>>
      %dma_wait3A_663 = arith.constant 0 : i32
      %dma_wait3A_664 = tpu.memref_slice %arg9[%dma_wait3A_659, %dma_wait3A_663] : memref<16x128xi32, #tpu.memory_space<vmem>> -> memref<1x128xi32, #tpu.memory_space<vmem>>
      %dma_wait3A_665 = tpu.memref_squeeze %dma_wait3A_664 : memref<1x128xi32, #tpu.memory_space<vmem>> -> memref<128xi32, #tpu.memory_space<vmem>>
      %dma_wait3A_666 = arith.constant 0 : i32
      %dma_wait3A_667 = arith.constant 0 : i32
      %dma_wait3A_668 = tpu.memref_slice %arg12[%dma_wait3A_666, %dma_wait3A_667] : memref<16384x16xf32, #tpu.memory_space<vmem_shared>> -> memref<16384x16xf32, #tpu.memory_space<vmem_shared>>
      tpu.wait_indirect_dma semaphore(%arg14 : memref<!tpu.dma_semaphore, #tpu.memory_space<semaphore_mem>>) src(%dma_wait3A_662 : memref<128x16xf32, #tpu.memory_space<vmem>>) dst(%dma_wait3A_668 : memref<16384x16xf32, #tpu.memory_space<vmem_shared>>)
      %dma_wait3A_669 = arith.constant 13 : i32
      %dma_wait3A_670 = arith.constant 1664 : i32
      %dma_wait3A_671 = arith.constant 0 : i32
      %dma_wait3A_672 = tpu.memref_slice %arg7[%dma_wait3A_670, %dma_wait3A_671] : memref<2048x16xf32, #tpu.memory_space<vmem>> -> memref<128x16xf32, #tpu.memory_space<vmem>>
      %dma_wait3A_673 = arith.constant 0 : i32
      %dma_wait3A_674 = tpu.memref_slice %arg9[%dma_wait3A_669, %dma_wait3A_673] : memref<16x128xi32, #tpu.memory_space<vmem>> -> memref<1x128xi32, #tpu.memory_space<vmem>>
      %dma_wait3A_675 = tpu.memref_squeeze %dma_wait3A_674 : memref<1x128xi32, #tpu.memory_space<vmem>> -> memref<128xi32, #tpu.memory_space<vmem>>
      %dma_wait3A_676 = arith.constant 0 : i32
      %dma_wait3A_677 = arith.constant 0 : i32
      %dma_wait3A_678 = tpu.memref_slice %arg12[%dma_wait3A_676, %dma_wait3A_677] : memref<16384x16xf32, #tpu.memory_space<vmem_shared>> -> memref<16384x16xf32, #tpu.memory_space<vmem_shared>>
      tpu.wait_indirect_dma semaphore(%arg14 : memref<!tpu.dma_semaphore, #tpu.memory_space<semaphore_mem>>) src(%dma_wait3A_672 : memref<128x16xf32, #tpu.memory_space<vmem>>) dst(%dma_wait3A_678 : memref<16384x16xf32, #tpu.memory_space<vmem_shared>>)
      %dma_wait3A_679 = arith.constant 14 : i32
      %dma_wait3A_680 = arith.constant 1792 : i32
      %dma_wait3A_681 = arith.constant 0 : i32
      %dma_wait3A_682 = tpu.memref_slice %arg7[%dma_wait3A_680, %dma_wait3A_681] : memref<2048x16xf32, #tpu.memory_space<vmem>> -> memref<128x16xf32, #tpu.memory_space<vmem>>
      %dma_wait3A_683 = arith.constant 0 : i32
      %dma_wait3A_684 = tpu.memref_slice %arg9[%dma_wait3A_679, %dma_wait3A_683] : memref<16x128xi32, #tpu.memory_space<vmem>> -> memref<1x128xi32, #tpu.memory_space<vmem>>
      %dma_wait3A_685 = tpu.memref_squeeze %dma_wait3A_684 : memref<1x128xi32, #tpu.memory_space<vmem>> -> memref<128xi32, #tpu.memory_space<vmem>>
      %dma_wait3A_686 = arith.constant 0 : i32
      %dma_wait3A_687 = arith.constant 0 : i32
      %dma_wait3A_688 = tpu.memref_slice %arg12[%dma_wait3A_686, %dma_wait3A_687] : memref<16384x16xf32, #tpu.memory_space<vmem_shared>> -> memref<16384x16xf32, #tpu.memory_space<vmem_shared>>
      tpu.wait_indirect_dma semaphore(%arg14 : memref<!tpu.dma_semaphore, #tpu.memory_space<semaphore_mem>>) src(%dma_wait3A_682 : memref<128x16xf32, #tpu.memory_space<vmem>>) dst(%dma_wait3A_688 : memref<16384x16xf32, #tpu.memory_space<vmem_shared>>)
      %dma_wait3A_689 = arith.constant 15 : i32
      %dma_wait3A_690 = arith.constant 1920 : i32
      %dma_wait3A_691 = arith.constant 0 : i32
      %dma_wait3A_692 = tpu.memref_slice %arg7[%dma_wait3A_690, %dma_wait3A_691] : memref<2048x16xf32, #tpu.memory_space<vmem>> -> memref<128x16xf32, #tpu.memory_space<vmem>>
      %dma_wait3A_693 = arith.constant 0 : i32
      %dma_wait3A_694 = tpu.memref_slice %arg9[%dma_wait3A_689, %dma_wait3A_693] : memref<16x128xi32, #tpu.memory_space<vmem>> -> memref<1x128xi32, #tpu.memory_space<vmem>>
      %dma_wait3A_695 = tpu.memref_squeeze %dma_wait3A_694 : memref<1x128xi32, #tpu.memory_space<vmem>> -> memref<128xi32, #tpu.memory_space<vmem>>
      %dma_wait3A_696 = arith.constant 0 : i32
      %dma_wait3A_697 = arith.constant 0 : i32
      %dma_wait3A_698 = tpu.memref_slice %arg12[%dma_wait3A_696, %dma_wait3A_697] : memref<16384x16xf32, #tpu.memory_space<vmem_shared>> -> memref<16384x16xf32, #tpu.memory_space<vmem_shared>>
      tpu.wait_indirect_dma semaphore(%arg14 : memref<!tpu.dma_semaphore, #tpu.memory_space<semaphore_mem>>) src(%dma_wait3A_692 : memref<128x16xf32, #tpu.memory_space<vmem>>) dst(%dma_wait3A_698 : memref<16384x16xf32, #tpu.memory_space<vmem_shared>>)
      %scan3A_699 = arith.constant 0 : i32
      scf.yield %scan3A_699 : i32
    }
    %scan3A_19 = arith.constant 41 : i32
    %barrier3A_20 = arith.constant 0 : index
    tpu.barrier barrier_id(%barrier3A_20)
    %mul3A_21 = arith.constant 1024 : i32
    %mul3A_22 = arith.muli %arg1, %mul3A_21 : i32
    %mul3A_23 = arith.constant 1024 : i32
    %mul3A_24 = arith.muli %arg1, %mul3A_23 : i32
    "tpu.region"() ({
      %run_scoped3A = tpu.sem_alloc : memref<!tpu.dma_semaphore, #tpu.memory_space<semaphore_mem>>
      %dma_start3A = arith.constant 0 : i32
      %dma_start3A_25 = tpu.memref_slice %arg6[%arg0, %mul3A_24, %dma_start3A] : memref<2x16384x16xf32, #tpu.memory_space<hbm>> -> memref<1x1024x16xf32, #tpu.memory_space<hbm>>
      %dma_start3A_26 = tpu.memref_squeeze %dma_start3A_25 : memref<1x1024x16xf32, #tpu.memory_space<hbm>> -> memref<1024x16xf32, #tpu.memory_space<hbm>>
      %dma_start3A_27 = arith.constant 0 : i32
      %dma_start3A_28 = tpu.memref_slice %arg12[%mul3A_22, %dma_start3A_27] : memref<16384x16xf32, #tpu.memory_space<vmem_shared>> -> memref<1024x16xf32, #tpu.memory_space<vmem_shared>>
      tpu.enqueue_dma source(%dma_start3A_28 : memref<1024x16xf32, #tpu.memory_space<vmem_shared>>) target(%dma_start3A_26 : memref<1024x16xf32, #tpu.memory_space<hbm>>) target_semaphore(%run_scoped3A : memref<!tpu.dma_semaphore, #tpu.memory_space<semaphore_mem>>)
      %dma_wait3A = arith.constant 0 : i32
      %dma_wait3A_29 = tpu.memref_slice %arg6[%arg0, %mul3A_24, %dma_wait3A] : memref<2x16384x16xf32, #tpu.memory_space<hbm>> -> memref<1x1024x16xf32, #tpu.memory_space<hbm>>
      %dma_wait3A_30 = tpu.memref_squeeze %dma_wait3A_29 : memref<1x1024x16xf32, #tpu.memory_space<hbm>> -> memref<1024x16xf32, #tpu.memory_space<hbm>>
      %dma_wait3A_31 = arith.constant 0 : i32
      %dma_wait3A_32 = tpu.memref_slice %arg12[%mul3A_22, %dma_wait3A_31] : memref<16384x16xf32, #tpu.memory_space<vmem_shared>> -> memref<1024x16xf32, #tpu.memory_space<vmem_shared>>
      tpu.wait_dma2 semaphore(%run_scoped3A : memref<!tpu.dma_semaphore, #tpu.memory_space<semaphore_mem>>) src(%dma_wait3A_32 : memref<1024x16xf32, #tpu.memory_space<vmem_shared>>) dst(%dma_wait3A_30 : memref<1024x16xf32, #tpu.memory_space<hbm>>)
      tpu.yield
    }) : () -> ()
    return
  }
}

</mosaic_0001>

<sc_bundles>
// kernel: _sc_edge_scatter.3.cloned.1.call-start
scs
__scs_entry_jumppad:
0x0: {  	(pc) =	sbr.rel $0x88, $3  }
0x1: {  	(tag) =	ssettag $0x0;
	lr =	simm.s32 $0x1  }
0x2: {  	[smem:$0x3F9D] =	sst lr;
	_ =	strace $0xD0000000  }
0x3: {  	_ = 	snop  }
0x4: {  	_ = 	snop  }
0x5: {  	_ = 	snop  }
0x6: {  	_ = 	snop  }
0x7: {  	_ = 	snop  }
__scs_overlays_trampoline_lowered:
0x8: {  	[smem:$0x3FAC] =	sst s0  }
0x9: {  	[smem:$0x3FAD] =	sst s1  }
0xa: {  	[smem:$0x3FAE] =	sst s2  }
0xb: {  	[smem:$0x3FAF] =	sst s3  }
0xc: {  	[smem:$0x3FB0] =	sst s4  }
0xd: {  	[smem:$0x3FB1] =	sst s5  }
0xe: {  	[smem:$0x3FB2] =	sst s6  }
0xf: {  	[smem:$0x3FB3] =	sst s7  }
0x10: {  	[smem:$0x3FB4] =	sst s8  }
0x11: {  	[smem:$0x3FB5] =	sst s9;
	s0 =	simm.s32 @!p0 $0x0  }
0x12: {  	s1 =	sld [smem:$0x3F9B];
	s0 =	simm.s32 @p0 $0x1  }
0x13: {  	[smem:$0x3FB6] =	sst s0;
	s0 =	simm.s32 @!p1 $0x0  }
0x14: {  	s2 =	sld [smem:$0x3F9A];
	s0 =	simm.s32 @p1 $0x1  }
0x15: {  	[smem:$0x3FB7] =	sst s0;
	s0 =	simm.s32 @!p2 $0x0  }
0x16: {  	s3 =	sld [smem:$0x3FDB];
	s0 =	simm.s32 @p2 $0x1  }
0x17: {  	s4 =	simm.s32 $0x1BF5;
	[smem:$0x3FB9] =	sst s0  }
0x18: {  	s0 =	sld [smem:$0x3F9C];
	_ =	swait.ge [sflag:s4], $0x0  }
0x19: {  	s7 =	sld [smem:$0x3F9D]  }
0x1a: {  	s8 =	sadd.s32 $0xFFFFE003, lr  }
0x1b: {  	s9 =	sadd.s32 $0xFFFFFEF7, lr;
	s5 =	simm.s32 $0xFFFFFFFF;
	p2 =	slt.u32 s8, $0xFFFFF086  }
0x1c: {  	p1 =	slt.u32 s9, $0xF7A;
	s5 =	simm.s32 @!p2 $0x0  }
0x1d: {  	s5 =	simm.s32 @p1 $0x1;
	p0 =	seq.s32 s7, s2  }
0x1e: {  	s7 =	smul.u32 @!p0 $0xF7A, s2;
	p2 =	seq.s32 @!p0 s5, $0x0  }
0x1f: {  	s9 =	smul.u32 $0xF7A, s1;
	s8 =	simm.s32 @!p0 $0x1BF5;
	p2 =	por !p2, p0  }
0x20: {  	[sflag:s8] =	ssyncset.s32 @!p0 $0xFFFFF086;
	s6 =	sadd.s32 @!p0 s3, s7;
	s7 =	simm.s32 @!p0 $0x108  }
0x21: {  	s3 =	sadd.s32 s3, s9;
	s6 =	sadd.s32 @!p0 $0x88, s6;
	s7 =	simm.s32 @p2 $0x1082  }
0x22: {  	[simem:s7], [sflag:s8] =	dma.local @!p0 [hbm:s6], $0xF7A  }
0x23: {  	s9 =	sor.u32 $0xD0000000, s2;
	s6 =	simm.s32 $0x108;
	_ =	swait.ge @!p0 [sflag:s8], $0x0  }
0x24: {  	s3 =	sadd.s32 $0x88, s3;
	s6 =	simm.s32 @!p1 $0x1082;
	[sflag:s4] =	ssyncset.s32 $0xFFFFF086  }
0x25: {  	[simem:s6], [sflag:s4] =	dma.local [hbm:s3], $0xF7A  }
0x26: {  	[smem:$0x3F9D] =	sst s1;
	(tag) =	ssettag s2;
	_ =	strace s9  }
0x27: {  	s1 =	sld [smem:$0x3FAD]  }
0x28: {  	s2 =	sld [smem:$0x3FAE]  }
0x29: {  	s4 =	sld [smem:$0x3FB0]  }
0x2a: {  	p0 =	seq.s32 s5, $0x0;
	s5 =	sld [smem:$0x3FB1]  }
0x2b: {  	s6 =	sld [smem:$0x3FB2]  }
0x2c: {  	s7 =	sld [smem:$0x3FB3]  }
0x2d: {  	s3 =	simm.s32 $0x108;
	s8 =	sld [smem:$0x3FB4]  }
0x2e: {  	s3 =	simm.s32 @!p0 $0x1082;
	s9 =	sld [smem:$0x3FB5]  }
0x2f: {  	lr =	sadd.s32 s0, s3;
	s0 =	sld [smem:$0x3FAC]  }
0x30: {  	s3 =	sld [smem:$0x3FAF]  }
0x31: {  	[smem:$0x3FB8] =	sst s10  }
0x32: {  	s10 =	sld [smem:$0x3FB6];
	_ =	sdelay $0x3  }
0x33: {  	p0 =	seq.s32 s10, $0x1;
	s10 =	sld [smem:$0x3FB8];
	_ =	sdelay $0x3  }
0x34: {  	[smem:$0x3FB8] =	sst s10  }
0x35: {  	s10 =	sld [smem:$0x3FB7];
	_ =	sdelay $0x3  }
0x36: {  	p1 =	seq.s32 s10, $0x1;
	s10 =	sld [smem:$0x3FB8];
	_ =	sdelay $0x3  }
0x37: {  	[smem:$0x3FB8] =	sst s10  }
0x38: {  	s10 =	sld [smem:$0x3FB9]  }
0x39: {  	_ = 	snop;
	(pc) =	sbr.ind lr, $3  }
0x3a: {  	_ = 	snop  }
0x3b: {  	_ = 	snop  }
0x3c: {  	p2 =	seq.s32 s10, $0x1;
	s10 =	sld [smem:$0x3FB8]  }
0x3d: {  	_ =	shalt  }
0x3e: {  	_ =	shalt  }
0x3f: {  	_ =	shalt  }
0x40: {  	_ =	shalt  }
0x41: {  	_ =	shalt  }
0x42: {  	_ =	shalt  }
0x43: {  	_ =	shalt  }
0x44: {  	_ =	shalt  }
0x45: {  	_ =	shalt  }
0x46: {  	_ =	shalt  }
0x47: {  	_ =	shalt  }
0x48: {  	_ =	shalt  }
0x49: {  	_ =	shalt  }
0x4a: {  	_ =	shalt  }
0x4b: {  	_ =	shalt  }
0x4c: {  	_ =	shalt  }
0x4d: {  	_ =	shalt  }
0x4e: {  	_ =	shalt  }
0x4f: {  	_ =	shalt  }
0x50: {  	_ =	shalt  }
0x51: {  	_ =	shalt  }
0x52: {  	_ =	shalt  }
0x53: {  	_ =	shalt  }
0x54: {  	_ =	shalt  }
0x55: {  	_ =	shalt  }
0x56: {  	_ =	shalt  }
0x57: {  	_ =	shalt  }
0x58: {  	_ =	shalt  }
0x59: {  	_ =	shalt  }
0x5a: {  	_ =	shalt  }
0x5b: {  	_ =	shalt  }
0x5c: {  	_ =	shalt  }
0x5d: {  	_ =	shalt  }
0x5e: {  	_ =	shalt  }
0x5f: {  	_ =	shalt  }
0x60: {  	_ =	shalt  }
0x61: {  	_ =	shalt  }
0x62: {  	_ =	shalt  }
0x63: {  	_ =	shalt  }
0x64: {  	_ =	shalt  }
0x65: {  	_ =	shalt  }
0x66: {  	_ =	shalt  }
0x67: {  	_ =	shalt  }
0x68: {  	_ =	shalt  }
0x69: {  	_ =	shalt  }
0x6a: {  	_ =	shalt  }
0x6b: {  	_ =	shalt  }
0x6c: {  	_ =	shalt  }
0x6d: {  	_ =	shalt  }
0x6e: {  	_ =	shalt  }
0x6f: {  	_ =	shalt  }
0x70: {  	_ =	shalt  }
0x71: {  	_ =	shalt  }
0x72: {  	_ =	shalt  }
0x73: {  	_ =	shalt  }
0x74: {  	_ =	shalt  }
0x75: {  	_ =	shalt  }
0x76: {  	_ =	shalt  }
0x77: {  	_ =	shalt  }
0x78: {  	_ =	shalt  }
0x79: {  	_ =	shalt  }
0x7a: {  	_ =	shalt  }
0x7b: {  	_ =	shalt  }
0x7c: {  	_ =	shalt  }
0x7d: {  	_ =	shalt  }
0x7e: {  	_ =	shalt  }
0x7f: {  	_ =	shalt  }
0x80: {  	_ =	shalt  }
0x81: {  	_ =	shalt  }
0x82: {  	_ =	shalt  }
0x83: {  	_ =	shalt  }
0x84: {  	_ =	shalt  }
0x85: {  	_ =	shalt  }
0x86: {  	_ =	shalt  }
0x87: {  	_ =	shalt  }
.Lfunc_end0:
.L_simem_size_0:
called_computation_lowered:
.L_overlay_start_0:
0x88: {  	s2 =	sld [smem:$0x3FD9]  }
0x89: {  	s3 =	sld [smem:$0x3FFE];
	_ =	sdelay $0x1  }
0x8a: {  	s1 =	srdreg.scid  }
0x8b: {  	s0 =	sand.u32 $0x1, s1  }
0x8c: {  	s17 =	sshll.u32 s0, $0xA;
	s2 =	sadd.s32 s3, s2  }
0x8d: {  	s2 =	sadd.s32 s2, s17  }
0x8e: {  	[smem:$0x3FC4] =	sst s2  }
0x8f: {  	_ = 	snop  }
0x90: {  	s2 =	sld [smem:$0x3FC8]  }
0x91: {  	s18 =	sld [smem:$0x3FC7]  }
0x92: {  	s4 =	sld [smem:$0x3FC6]  }
0x93: {  	s5 =	sld [smem:$0x3FD0];
	(tm) =	ssettm $0x1  }
0x94: {  	s6 =	sld [smem:$0x3FFB];
	_ =	sdelay $0x3  }
0x95: {  	_ =	strace s6  }
0x96: {  	s6 =	sld [smem:$0x3FFC];
	_ =	sdelay $0x3  }
0x97: {  	_ =	strace s6  }
0x98: {  	s6 =	sld [smem:$0x3FFD];
	_ =	sdelay $0x3  }
0x99: {  	_ =	strace s6  }
0x9a: {  	_ =	strace $0x8FFFFFFF  }
0x9b: {  	s19 =	sld [smem:$0x3FDB];
	_ =	sdelay $0x1  }
0x9c: {  	s7 =	simm.s32 $_scs_section_size  }
0x9d: {  	s8 =	simm.s32 $_size__tile_overlayer_lowered;
	s9 =	simm.s32 $_tile_overlayer_lowered  }
0x9e: {  	s22 =	simm.s32 $0x1BFF;
	s21 =	sshll.u32 s9, $0x1;
	s6 =	sadd.s32 s7, s19  }
0x9f: {  	s10 =	simm.s32 $0x0;
	s20 =	sshll.u32 s8, $0x1;
	s8 =	sadd.s32 s21, s6  }
0xa0: {  	[timem:s10], [sflag:s22] =	dma.local [hbm:s8], s20  }
0xa1: {  	_ =	swait.ge [sflag:s22], s20  }
0xa2: {  	s7 =	ssub.s32 $0x0, s20;
	[sflag:s22] =	ssyncset.done $0x0  }
0xa3: {  	[sflag:s22] =	ssyncadd.s32 s7;
	_ =	sdelay $0x1  }
0xa4: {  	s23 =	simm.s32 $0x1B8B  }
0xa5: {  	_ =	swait.ge [sflag:s23], $0x1  }
0xa6: {  	[sflag:s23] =	ssyncset.done $0x0  }
0xa7: {  	s25 =	simm.s32 $0x1B8E;
	s24 =	sld [smem:$0x3FFE];
	[sflag:s23] =	ssyncadd.s32 $0xFFFFFFFF  }
0xa8: {  	s26 =	simm.s32 $execute0_lowered;
	[smem:$0x3FD2] =	sst s25  }
0xa9: {  	s8 =	sshll.u32 s26, $0x1;
	_ =	strace $0x80000046;
	[dreg:$0x1] =	wrdreg $0xFFFFFFFF  }
0xaa: {  	s28 =	simm.s32 $_size_execute0_lowered;
	s6 =	sadd.s32 s6, s8;
	[dreg:$0x0] =	wrdreg $0x0  }
0xab: {  	s8 =	sshll.u32 s28, $0x1;
	[dreg:$0x2] =	wrdreg s6  }
0xac: {  	[dreg:$0x3] =	wrdreg s8  }
0xad: {  	[dreg:$0x4] =	wrdreg $0xC0  }
0xae: {  	_ =	task [dreg:s10], $0x5FFFF  }
0xaf: {  	[dreg:$0x1] =	wrdreg $0xFFFFFFFF  }
0xb0: {  	[dreg:$0x0] =	wrdreg $0x60  }
0xb1: {  	[dreg:$0x2] =	wrdreg s24  }
0xb2: {  	[dreg:$0x3] =	wrdreg s2  }
0xb3: {  	[dreg:$0x4] =	wrdreg s18  }
0xb4: {  	[dreg:$0x5] =	wrdreg s4  }
0xb5: {  	[dreg:$0x6] =	wrdreg s5  }
0xb6: {  	[dreg:$0x7] =	wrdreg $0x98000  }
0xb7: {  	[dreg:$0x8] =	wrdreg $0xD8000  }
0xb8: {  	[dreg:$0x9] =	wrdreg $0x9  }
0xb9: {  	_ =	task.clear_ibuf [dreg:s10], $0xAFFFF;
	_ =	strace $0x90000046  }
0xba: {  	s29 =	simm.s32 $0x9;
	_ =	strace $0x80000048  }
0xbb: {  	_ =	swait.ge [sflag:s29], $0x1  }
0xbc: {  	[sflag:s29] =	ssyncadd.s32 $0xFFFFFFFF  }
0xbd: {  	_ =	strace $0x90000048  }
0xbe: {  	_ =	sfence  }
0xbf: {  	s30 =	sld [smem:$0x0];
	_ =	sdelay $0x2  }
0xc0: {  	s31 =	sshll.u32 s1, $0xD;
	s1 =	sshrl.u32 s1, $0x2  }
0xc1: {  	s3 =	sand.u32 $0x4000, s31;
	s1 =	sadd.s32 s1, s30  }
0xc2: {  	s0 =	sor.u32 s3, s0;
	s1 =	sshll.u32 s1, $0x11  }
0xc3: {  	s0 =	sor.u32 s1, s0  }
0xc4: {  	s0 =	sadd.s32 $0x8F2B, s0  }
0xc5: {  	[sflag:s0] =	ssyncadd.remote.s32 $0x1  }
0xc6: {  	_ =	sfence.sel $0xFFFF  }
0xc7: {  	[dreg:$0x0] =	wrdreg $0xFFFFFFFF;
	(pc) =	sbr.abs _section_cstart, $3  }
0xc8: {  	[dreg:$0x1] =	wrdreg $0xFFFFFFFF  }
0xc9: {  	_ =	task.clear_ibuf [dreg:s10], $0x2FFFF;
	_ =	strace $0x9FFFFFFF  }
0xca: {  	(tm) =	ssettm $0x7FFFFFFF  }
0xcb: {  	_ =	shalt  }
tec
execute0_lowered:
.L_overlay_start_1:
0x0: {  	(tag) =	ssettag $0x1  }
0x1: {  	s0 =	rddreg [dreg:$0x0]  }
0x2: {  	s1 =	rddreg [dreg:$0x4]  }
0x3: {  	s4 =	rddreg [dreg:$0x5]  }
0x4: {  	s6 =	rddreg [dreg:$0x6]  }
0x5: {  	s2 =	srdreg.scid;
	s3 =	simm.s32 $0x0;
	s9 =	stileid.u32  }
0x6: {  	s14 =	simm.s32 $0x3;
	s16 =	simm.s32 $0x8000;
	s17 =	simm.s32 $0x8800  }
0x7: {  	s19 =	simm.s32 $0x2;
	s28 =	simm.s32 $0x2000;
	s30 =	simm.s32 $0x2800  }
0x8: {  	s13 =	simm.s32 $0x4000;
	s15 =	simm.s32 $0x5000;
	s29 =	simm.s32 $0x7800  }
0x9: {  	s31 =	simm.s32 $0x1;
	s18 =	simm.s32 $0x8F00;
	s2 =	sand.u32 $0x1, s2  }
0xa: {  	[smem:$0x7FF] =	sst s3;
	s20 =	sshll.u32 s9, $0xB;
	s22 =	sshll.u32 s9, $0x1  }
0xb: {  	s7 =	sshll.u32 s9, $0xE;
	s23 =	sshll.u32 s9, $0x6;
	s9 =	simm.s32 $0x4800  }
0xc: {  	s5 =	ssub.s32 $0x2, s2;
	_ =	strace $0x80000047;
	s0 =	sadd.s32 s20, s0  }
0xd: {  	s8 =	sadd.s32 s7, s4;
	s10 =	sor.u32 $0x1C03, s23;
	s12 =	sadd.s32 s7, s6  }
0xe: {  	s23 =	simm.s32 $0x1000;
	s20 =	simm.s32 $0x6800;
	s21 =	sshrl.u32 s5, $0x1  }
0xf: {  	s0 =	sadd.s32 $0x400, s0;
	s26 =	sshrl.u32 s8, $0x3;
	[dreg:$0x9] =	wrdreg s10  }
0x10: {  	s8 =	simm.s32 $0x3800;
	[dreg:$0xa] =	wrdreg s12;
	s3 =	ssub.s32 s5, s21  }
0x11: {  	s5 =	sor.u32 s2, s22;
	s2 =	sshll.u32 s2, $0x12;
	[dreg:$0x8] =	wrdreg s0  }
0x12: {  	[dreg:$0xd] =	wrdreg s26;
	s21 =	simm.s32 $0x800;
	s22 =	simm.s32 $0x8F80  }
0x13: {  	s26 =	simm.s32 $0x0;
	s2 =	sor.u32 s7, s2;
	s11 =	smul.u32 $0x29, s5  }
0x14: {  	s25 =	smax.u32 s3, $0x1;
	s7 =	simm.s32 $0x6000;
	s5 =	simm.s32 $0x80  }
0x15: {  	s3 =	simm.s32 $0x0;
	s24 =	sshrl.u32 s2, $0x3;
	[dreg:$0xc] =	wrdreg s25  }
0x16: {  	s25 =	simm.s32 $0x1800;
	s2 =	simm.s32 $0x5800;
	s0 =	sadd.s32 s1, s24  }
0x17: {  	v0 =	vimm.f32 $0.0e+00;
	s24 =	simm.s32 $0x7000;
	[dreg:$0xb] =	wrdreg s0;
	s0 =	simm.s32 $0x3000  }
.LBB2_1:
0x18: {  	[dreg:$0xe] =	wrdreg s3  }
0x19: {  	s1 =	rddreg [dreg:$0x8]  }
0x1a: {  	s3 =	rddreg [dreg:$0xd]  }
0x1b: {  	[spmem:s3], [sflag:s10] =	dma.local [hbm:s1], $0x800  }
0x1c: {  	_ =	swait.ge [sflag:s14], $0x800  }
0x1d: {  	[sflag:s14] =	ssyncset.done $0x0  }
0x1e: {  	s1 =	simm.s32 $0x40;
	[sflag:s14] =	ssyncadd.s32 $0xFFFFF800  }
0x1f: {  	[tilespmem:s1+$0xFFFFFFC0] =	vst v0  }
0x20: {  	[tilespmem:s1+$0x30] =	vst v0  }
0x21: {  	[tilespmem:s1+$0x20] =	vst v0  }
0x22: {  	[tilespmem:s1+$0x10] =	vst v0  }
0x23: {  	[tilespmem:s1+$0x0] =	vst v0  }
0x24: {  	[tilespmem:s1+$0xFFFFFFF0] =	vst v0  }
0x25: {  	s10 =	simm.s32 $0x0;
	[tilespmem:s1+$0xFFFFFFE0] =	vst v0  }
.LBB2_2:
0x26: {  	s10 =	sadd.s32 $0x8, s10;
	[tilespmem:s1+$0xFFFFFFD0] =	vst v0;
	s1 =	sadd.s32 $0x80, s1  }
0x27: {  	[tilespmem:s1+$0xFFFFFFC0] =	vst v0;
	p0 =	slt.u32 s10, $0x3F8  }
0x28: {  	[tilespmem:s1+$0x30] =	vst v0  }
.Ltmp0:
0x29: {  	[tilespmem:s1+$0x20] =	vst v0;
	(pc) =	sbr.rel @p0 .LBB2_2-.Ltmp0, $4  }
0x2a: {  	[tilespmem:s1+$0x10] =	vst v0  }
0x2b: {  	[tilespmem:s1+$0x0] =	vst v0  }
0x2c: {  	[tilespmem:s1+$0xFFFFFFF0] =	vst v0  }
0x2d: {  	[tilespmem:s1+$0xFFFFFFE0] =	vst v0  }
0x2e: {  	[tilespmem:s1+$0xFFFFFFD0] =	vst v0  }
0x2f: {  	[spmem:s12] =	stream.linear.scatter [tilespmem:s26], [sflag:$0x3], $0x4000, $0x38;
	[tilespmem:$0x11800] =	vst v63  }
0x30: {  	_ =	swait.ge [sflag:s14], $0x4000  }
0x31: {  	[sflag:s14] =	ssyncset.done $0x0  }
0x32: {  	[sflag:s14] =	ssyncadd.s32 $0xFFFFC000  }
0x33: {  	s12 =	simm.s32 $0x0;
	[bflag:$0x0] =	sbarrier.arrive $0xFFFF  }
.LBB2_4:
0x34: {  	s1 =	sadd.s32 s11, s12  }
0x35: {  	s3 =	rddreg [dreg:$0x1];
	s1 =	sshll.u32 s1, $0x8  }
0x36: {  	s14 =	rddreg [dreg:$0x2];
	s3 =	sadd.s32 s3, s1  }
0x37: {  	[tilespmem:s16], [sflag:$0x2] =	stream.linear.gather [hbm4b:s3+s26], $0x800, $0x38;
	[tilespmem:$0x11800] =	vst v63  }
0x38: {  	s10 =	rddreg [dreg:$0x3];
	s3 =	sadd.s32 s14, s1  }
0x39: {  	[tilespmem:s17], [sflag:$0x2] =	stream.linear.gather [hbm4b:s3+s26], $0x800, $0x38;
	[tilespmem:$0x11800] =	vst v63  }
0x3a: {  	s1 =	sadd.s32 s10, s1;
	s14 =	simm.s32 $0x9000  }
0x3b: {  	[tilespmem:s14], [sflag:$0x2] =	stream.linear.gather [hbm4b:s1+s26], $0x800, $0x38;
	[tilespmem:$0x11800] =	vst v63  }
0x3c: {  	_ =	swait.ge [sflag:s19], $0x800  }
0x3d: {  	[sflag:s19] =	ssyncset.done $0x0  }
0x3e: {  	[sflag:s19] =	ssyncadd.s32 $0xFFFFF800  }
0x3f: {  	_ =	swait.ge [sflag:s19], $0x800  }
0x40: {  	[sflag:s19] =	ssyncset.done $0x0  }
0x41: {  	[sflag:s19] =	ssyncadd.s32 $0xFFFFF800  }
0x42: {  	_ =	swait.ge [sflag:s19], $0x800  }
0x43: {  	[sflag:s19] =	ssyncset.done $0x0  }
0x44: {  	s14 =	simm.s32 $0x80;
	[sflag:s19] =	ssyncadd.s32 $0xFFFFF800  }
0x45: {  	[tilespmem:s26], [sflag:$0x1] =	stream.indirect.gather [spmem:s4], $0x10, s16, s14, $0xb8;
	[tilespmem:$0x11800] =	vst v63  }
0x46: {  	s10 =	simm.s32 $0x8080  }
0x47: {  	[tilespmem:s21], [sflag:$0x1] =	stream.indirect.gather [spmem:s4], $0x10, s10, s14, $0xb8;
	[tilespmem:$0x11800] =	vst v63  }
0x48: {  	s3 =	simm.s32 $0x8100  }
0x49: {  	[tilespmem:s23], [sflag:$0x1] =	stream.indirect.gather [spmem:s4], $0x10, s3, s14, $0xb8;
	[tilespmem:$0x11800] =	vst v63  }
0x4a: {  	s10 =	simm.s32 $0x8180  }
0x4b: {  	[tilespmem:s25], [sflag:$0x1] =	stream.indirect.gather [spmem:s4], $0x10, s10, s14, $0xb8;
	[tilespmem:$0x11800] =	vst v63  }
0x4c: {  	s3 =	simm.s32 $0x8200  }
0x4d: {  	[tilespmem:s28], [sflag:$0x1] =	stream.indirect.gather [spmem:s4], $0x10, s3, s14, $0xb8;
	[tilespmem:$0x11800] =	vst v63  }
0x4e: {  	s10 =	simm.s32 $0x8280  }
0x4f: {  	[tilespmem:s30], [sflag:$0x1] =	stream.indirect.gather [spmem:s4], $0x10, s10, s14, $0xb8;
	[tilespmem:$0x11800] =	vst v63  }
0x50: {  	s3 =	simm.s32 $0x8300  }
0x51: {  	[tilespmem:s0], [sflag:$0x1] =	stream.indirect.gather [spmem:s4], $0x10, s3, s14, $0xb8;
	[tilespmem:$0x11800] =	vst v63  }
0x52: {  	s10 =	simm.s32 $0x8380  }
0x53: {  	[tilespmem:s8], [sflag:$0x1] =	stream.indirect.gather [spmem:s4], $0x10, s10, s14, $0xb8;
	[tilespmem:$0x11800] =	vst v63  }
0x54: {  	s3 =	simm.s32 $0x8400  }
0x55: {  	[tilespmem:s13], [sflag:$0x1] =	stream.indirect.gather [spmem:s4], $0x10, s3, s14, $0xb8;
	[tilespmem:$0x11800] =	vst v63  }
0x56: {  	s10 =	simm.s32 $0x8480  }
0x57: {  	[tilespmem:s9], [sflag:$0x1] =	stream.indirect.gather [spmem:s4], $0x10, s10, s14, $0xb8;
	[tilespmem:$0x11800] =	vst v63  }
0x58: {  	s3 =	simm.s32 $0x8500  }
0x59: {  	[tilespmem:s15], [sflag:$0x1] =	stream.indirect.gather [spmem:s4], $0x10, s3, s14, $0xb8;
	[tilespmem:$0x11800] =	vst v63  }
0x5a: {  	s10 =	simm.s32 $0x8580  }
0x5b: {  	[tilespmem:s2], [sflag:$0x1] =	stream.indirect.gather [spmem:s4], $0x10, s10, s14, $0xb8;
	[tilespmem:$0x11800] =	vst v63  }
0x5c: {  	s3 =	simm.s32 $0x8600  }
0x5d: {  	[tilespmem:s7], [sflag:$0x1] =	stream.indirect.gather [spmem:s4], $0x10, s3, s14, $0xb8;
	[tilespmem:$0x11800] =	vst v63  }
0x5e: {  	s10 =	simm.s32 $0x8680  }
0x5f: {  	[tilespmem:s20], [sflag:$0x1] =	stream.indirect.gather [spmem:s4], $0x10, s10, s14, $0xb8;
	[tilespmem:$0x11800] =	vst v63  }
0x60: {  	s3 =	simm.s32 $0x8700  }
0x61: {  	[tilespmem:s24], [sflag:$0x1] =	stream.indirect.gather [spmem:s4], $0x10, s3, s14, $0xb8;
	[tilespmem:$0x11800] =	vst v63  }
0x62: {  	s10 =	simm.s32 $0x8780  }
0x63: {  	[tilespmem:s29], [sflag:$0x1] =	stream.indirect.gather [spmem:s4], $0x10, s10, s14, $0xb8;
	[tilespmem:$0x11800] =	vst v63  }
0x64: {  	_ =	swait.ge [sflag:s31], $0x800  }
0x65: {  	[sflag:s31] =	ssyncset.done $0x0  }
0x66: {  	[sflag:s31] =	ssyncadd.s32 $0xFFFFF800  }
0x67: {  	_ =	swait.ge [sflag:s31], $0x800  }
0x68: {  	[sflag:s31] =	ssyncset.done $0x0  }
0x69: {  	[sflag:s31] =	ssyncadd.s32 $0xFFFFF800  }
0x6a: {  	_ =	swait.ge [sflag:s31], $0x800  }
0x6b: {  	[sflag:s31] =	ssyncset.done $0x0  }
0x6c: {  	[sflag:s31] =	ssyncadd.s32 $0xFFFFF800  }
0x6d: {  	_ =	swait.ge [sflag:s31], $0x800  }
0x6e: {  	[sflag:s31] =	ssyncset.done $0x0  }
0x6f: {  	[sflag:s31] =	ssyncadd.s32 $0xFFFFF800  }
0x70: {  	_ =	swait.ge [sflag:s31], $0x800  }
0x71: {  	[sflag:s31] =	ssyncset.done $0x0  }
0x72: {  	[sflag:s31] =	ssyncadd.s32 $0xFFFFF800  }
0x73: {  	_ =	swait.ge [sflag:s31], $0x800  }
0x74: {  	[sflag:s31] =	ssyncset.done $0x0  }
0x75: {  	[sflag:s31] =	ssyncadd.s32 $0xFFFFF800  }
0x76: {  	_ =	swait.ge [sflag:s31], $0x800  }
0x77: {  	[sflag:s31] =	ssyncset.done $0x0  }
0x78: {  	[sflag:s31] =	ssyncadd.s32 $0xFFFFF800  }
0x79: {  	_ =	swait.ge [sflag:s31], $0x800  }
0x7a: {  	[sflag:s31] =	ssyncset.done $0x0  }
0x7b: {  	[sflag:s31] =	ssyncadd.s32 $0xFFFFF800  }
0x7c: {  	_ =	swait.ge [sflag:s31], $0x800  }
0x7d: {  	[sflag:s31] =	ssyncset.done $0x0  }
0x7e: {  	[sflag:s31] =	ssyncadd.s32 $0xFFFFF800  }
0x7f: {  	_ =	swait.ge [sflag:s31], $0x800  }
0x80: {  	[sflag:s31] =	ssyncset.done $0x0  }
0x81: {  	[sflag:s31] =	ssyncadd.s32 $0xFFFFF800  }
0x82: {  	_ =	swait.ge [sflag:s31], $0x800  }
0x83: {  	[sflag:s31] =	ssyncset.done $0x0  }
0x84: {  	[sflag:s31] =	ssyncadd.s32 $0xFFFFF800  }
0x85: {  	_ =	swait.ge [sflag:s31], $0x800  }
0x86: {  	[sflag:s31] =	ssyncset.done $0x0  }
0x87: {  	[sflag:s31] =	ssyncadd.s32 $0xFFFFF800  }
0x88: {  	_ =	swait.ge [sflag:s31], $0x800  }
0x89: {  	[sflag:s31] =	ssyncset.done $0x0  }
0x8a: {  	[sflag:s31] =	ssyncadd.s32 $0xFFFFF800  }
0x8b: {  	_ =	swait.ge [sflag:s31], $0x800  }
0x8c: {  	[sflag:s31] =	ssyncset.done $0x0  }
0x8d: {  	[sflag:s31] =	ssyncadd.s32 $0xFFFFF800  }
0x8e: {  	_ =	swait.ge [sflag:s31], $0x800  }
0x8f: {  	[sflag:s31] =	ssyncset.done $0x0  }
0x90: {  	[sflag:s31] =	ssyncadd.s32 $0xFFFFF800  }
0x91: {  	_ =	swait.ge [sflag:s31], $0x800  }
0x92: {  	[sflag:s31] =	ssyncset.done $0x0  }
0x93: {  	[sflag:s31] =	ssyncadd.s32 $0xFFFFF800  }
0x94: {  	s1 =	simm.s32 $0x40;
	s3 =	simm.s32 $0x0;
	s10 =	simm.s32 $0x80;
	v1 =	vld [tilespmem:s14+$0xFFFFFFB0]  }
.LBB2_5:
0x95: {  	p0 =	sne.s32 s1, $0x1FC0;
	v2 =	vld [tilespmem:s3+$0x9000]  }
0x96: {  	v3 =	vld [tilespmem:s14+$0xFFFFFF90]  }
0x97: {  	v4 =	vld [tilespmem:s14+$0xFFFFFF80]  }
0x98: {  	v5 =	vld [tilespmem:s14+$0xFFFFFFA0]  }
0x99: {  	v6 =	vld [tilespmem:s14+$0xFFFFFFF0]  }
0x9a: {  	v7 =	vbroadcast v2, $0x0;
	v8 =	vbroadcast v2, $0x1;
	v9 =	vld [tilespmem:s14+$0xFFFFFFD0]  }
0x9b: {  	v10 =	vbroadcast v2, $0x2;
	v11 =	vbroadcast v2, $0x3;
	v12 =	vld [tilespmem:s14+$0xFFFFFFC0]  }
0x9c: {  	v4 =	vmul.f32 v7, v4;
	v3 =	vmul.f32 v3, v8;
	v7 =	vld [tilespmem:s14+$0xFFFFFFE0]  }
0x9d: {  	v1 =	vmul.f32 v1, v11;
	v5 =	vmul.f32 v5, v10;
	v8 =	vld [tilespmem:s14+$0x30]  }
0x9e: {  	v10 =	vbroadcast v2, $0x5;
	[tilespmem:s14+$0xFFFFFF80] =	vst v4;
	v4 =	vbroadcast v2, $0x4;
	v11 =	vld [tilespmem:s14+$0x10]  }
0x9f: {  	v13 =	vbroadcast v2, $0x7;
	[tilespmem:s14+$0xFFFFFF90] =	vst v3;
	v3 =	vbroadcast v2, $0x6;
	v14 =	vld [tilespmem:s14+$0x0]  }
0xa0: {  	[tilespmem:s14+$0xFFFFFFA0] =	vst v5;
	v4 =	vmul.f32 v12, v4;
	v5 =	vmul.f32 v9, v10;
	v9 =	vld [tilespmem:s14+$0x20]  }
0xa1: {  	[tilespmem:s14+$0xFFFFFFB0] =	vst v1;
	v1 =	vmul.f32 v7, v3;
	v3 =	vmul.f32 v6, v13;
	v6 =	vld [tilespmem:s14+$0x70]  }
0xa2: {  	v7 =	vbroadcast v2, $0x9;
	[tilespmem:s14+$0xFFFFFFC0] =	vst v4;
	v4 =	vbroadcast v2, $0x8;
	v10 =	vld [tilespmem:s14+$0x50]  }
0xa3: {  	v12 =	vbroadcast v2, $0xB;
	[tilespmem:s14+$0xFFFFFFD0] =	vst v5;
	v5 =	vbroadcast v2, $0xA;
	v13 =	vld [tilespmem:s14+$0x40]  }
0xa4: {  	[tilespmem:s14+$0xFFFFFFE0] =	vst v1;
	v1 =	vmul.f32 v14, v4;
	v4 =	vmul.f32 v11, v7;
	v7 =	vld [tilespmem:s14+$0x60]  }
0xa5: {  	[tilespmem:s14+$0xFFFFFFF0] =	vst v3;
	v3 =	vmul.f32 v9, v5;
	v5 =	vmul.f32 v8, v12  }
0xa6: {  	v8 =	vbroadcast v2, $0xD;
	[tilespmem:s14+$0x0] =	vst v1;
	v1 =	vbroadcast v2, $0xC  }
0xa7: {  	[tilespmem:s14+$0x10] =	vst v4;
	v4 =	vbroadcast v2, $0xE;
	v2 =	vbroadcast v2, $0xF  }
0xa8: {  	[tilespmem:s14+$0x20] =	vst v3;
	v1 =	vmul.f32 v13, v1;
	v3 =	vmul.f32 v10, v8  }
.Ltmp1:
0xa9: {  	[tilespmem:s14+$0x30] =	vst v5;
	v4 =	vmul.f32 v7, v4;
	v2 =	vmul.f32 v6, v2;
	(pc) =	sbr.rel @p0 .LBB2_5-.Ltmp1, $4  }
0xaa: {  	[tilespmem:s14+$0x40] =	vst v1  }
0xab: {  	[tilespmem:s14+$0x50] =	vst v3  }
0xac: {  	s14 =	sadd.s32 $0x100, s14;
	[tilespmem:s10+$0x60] =	vst v4  }
0xad: {  	s3 =	sshra.s32 s1, $0x2;
	s1 =	sadd.s32 $0x40, s1;
	v1 =	vld [tilespmem:s14+$0xFFFFFFB0];
	[tilespmem:s10+$0x70] =	vst v2;
	s10 =	smov.u32 s14  }
0xae: {  	v2 =	vld [tilespmem:s3+$0x9000];
	_ =	sdelay $0x1  }
0xaf: {  	v3 =	vld [tilespmem:s14+$0xFFFFFF80]  }
0xb0: {  	v4 =	vld [tilespmem:s14+$0xFFFFFF90]  }
0xb1: {  	v5 =	vld [tilespmem:s14+$0xFFFFFFA0]  }
0xb2: {  	v6 =	vbroadcast v2, $0x0  }
0xb3: {  	v9 =	vld [tilespmem:s14+$0xFFFFFFD0];
	v7 =	vbroadcast v2, $0x1  }
0xb4: {  	v8 =	vld [tilespmem:s14+$0xFFFFFFC0];
	v10 =	vbroadcast v2, $0x2;
	v3 =	vmul.f32 v6, v3  }
0xb5: {  	v48 =	vld [tilespmem:s14+$0xFFFFFFE0];
	v47 =	vbroadcast v2, $0x3;
	v4 =	vmul.f32 v4, v7  }
0xb6: {  	v51 =	vld [tilespmem:s14+$0x10];
	v49 =	vbroadcast v2, $0x5;
	v5 =	vmul.f32 v5, v10;
	[tilespmem:s14+$0xFFFFFF80] =	vst v3  }
0xb7: {  	v11 =	vld [tilespmem:s14+$0xFFFFFFF0];
	v1 =	vmul.f32 v1, v47;
	v3 =	vbroadcast v2, $0x4;
	[tilespmem:s14+$0xFFFFFF90] =	vst v4  }
0xb8: {  	v50 =	vld [tilespmem:s14+$0x0];
	v12 =	vbroadcast v2, $0x6;
	v6 =	vmul.f32 v9, v49;
	[tilespmem:s14+$0xFFFFFFA0] =	vst v5  }
0xb9: {  	v56 =	vld [tilespmem:s14+$0x50];
	v54 =	vbroadcast v2, $0x9;
	[tilespmem:s14+$0xFFFFFFB0] =	vst v1;
	v3 =	vmul.f32 v8, v3  }
0xba: {  	v53 =	vld [tilespmem:s14+$0x20];
	v52 =	vbroadcast v2, $0x7;
	v7 =	vmul.f32 v48, v12;
	[tilespmem:s14+$0xFFFFFFD0] =	vst v6  }
0xbb: {  	v59 =	vmul.f32 v51, v54;
	v1 =	vld [tilespmem:s14+$0x30];
	[tilespmem:s14+$0xFFFFFFC0] =	vst v3;
	v3 =	vbroadcast v2, $0x8  }
0xbc: {  	v55 =	vld [tilespmem:s14+$0x40];
	v62 =	vbroadcast v2, $0xD;
	v5 =	vmul.f32 v11, v52;
	[tilespmem:s14+$0xFFFFFFE0] =	vst v7  }
0xbd: {  	v60 =	vld [tilespmem:s14+$0x60];
	v57 =	vbroadcast v2, $0xA;
	[tilespmem:s14+$0x10] =	vst v59;
	v3 =	vmul.f32 v50, v3  }
0xbe: {  	v61 =	vld [tilespmem:s14+$0x70];
	v58 =	vbroadcast v2, $0xB;
	v4 =	vmul.f32 v56, v62;
	[tilespmem:s14+$0xFFFFFFF0] =	vst v5  }
0xbf: {  	v8 =	vmul.f32 v53, v57;
	[tilespmem:s14+$0x0] =	vst v3;
	v3 =	vbroadcast v2, $0xC  }
0xc0: {  	v63 =	vbroadcast v2, $0xE;
	[tilespmem:s14+$0x50] =	vst v4;
	v1 =	vmul.f32 v1, v58  }
0xc1: {  	[tilespmem:s14+$0x20] =	vst v8;
	v2 =	vbroadcast v2, $0xF;
	v3 =	vmul.f32 v55, v3  }
0xc2: {  	[tilespmem:s14+$0x30] =	vst v1;
	v1 =	vmul.f32 v60, v63  }
0xc3: {  	v2 =	vmul.f32 v61, v2;
	[tilespmem:s14+$0x40] =	vst v3  }
0xc4: {  	[tilespmem:s10+$0x60] =	vst v1  }
0xc5: {  	s1 =	simm.s32 $0x0;
	[tilespmem:s10+$0x70] =	vst v2  }
0xc6: {  	[spmem:s6] =	stream.indirect.scatter.add.f32 [tilespmem:s1], [sflag:$0x2], $0x10, s17, s5, $0xb8;
	[tilespmem:$0x11800] =	vst v63  }
0xc7: {  	s14 =	simm.s32 $0x8880  }
0xc8: {  	[spmem:s6] =	stream.indirect.scatter.add.f32 [tilespmem:s21], [sflag:$0x2], $0x10, s14, s5, $0xb8;
	[tilespmem:$0x11800] =	vst v63  }
0xc9: {  	s3 =	simm.s32 $0x8900  }
0xca: {  	[spmem:s6] =	stream.indirect.scatter.add.f32 [tilespmem:s23], [sflag:$0x2], $0x10, s3, s5, $0xb8;
	[tilespmem:$0x11800] =	vst v63  }
0xcb: {  	s10 =	simm.s32 $0x8980  }
0xcc: {  	[spmem:s6] =	stream.indirect.scatter.add.f32 [tilespmem:s25], [sflag:$0x2], $0x10, s10, s5, $0xb8;
	[tilespmem:$0x11800] =	vst v63  }
0xcd: {  	s14 =	simm.s32 $0x8A00  }
0xce: {  	[spmem:s6] =	stream.indirect.scatter.add.f32 [tilespmem:s28], [sflag:$0x2], $0x10, s14, s5, $0xb8;
	[tilespmem:$0x11800] =	vst v63  }
0xcf: {  	s3 =	simm.s32 $0x8A80  }
0xd0: {  	[spmem:s6] =	stream.indirect.scatter.add.f32 [tilespmem:s30], [sflag:$0x2], $0x10, s3, s5, $0xb8;
	[tilespmem:$0x11800] =	vst v63  }
0xd1: {  	s10 =	simm.s32 $0x8B00  }
0xd2: {  	[spmem:s6] =	stream.indirect.scatter.add.f32 [tilespmem:s0], [sflag:$0x2], $0x10, s10, s5, $0xb8;
	[tilespmem:$0x11800] =	vst v63  }
0xd3: {  	s14 =	simm.s32 $0x8B80  }
0xd4: {  	[spmem:s6] =	stream.indirect.scatter.add.f32 [tilespmem:s8], [sflag:$0x2], $0x10, s14, s5, $0xb8;
	[tilespmem:$0x11800] =	vst v63  }
0xd5: {  	s3 =	simm.s32 $0x8C00  }
0xd6: {  	[spmem:s6] =	stream.indirect.scatter.add.f32 [tilespmem:s13], [sflag:$0x2], $0x10, s3, s5, $0xb8;
	[tilespmem:$0x11800] =	vst v63  }
0xd7: {  	s10 =	simm.s32 $0x8C80  }
0xd8: {  	[spmem:s6] =	stream.indirect.scatter.add.f32 [tilespmem:s9], [sflag:$0x2], $0x10, s10, s5, $0xb8;
	[tilespmem:$0x11800] =	vst v63  }
0xd9: {  	s14 =	simm.s32 $0x8D00  }
0xda: {  	[spmem:s6] =	stream.indirect.scatter.add.f32 [tilespmem:s15], [sflag:$0x2], $0x10, s14, s5, $0xb8;
	[tilespmem:$0x11800] =	vst v63  }
0xdb: {  	s3 =	simm.s32 $0x8D80  }
0xdc: {  	[spmem:s6] =	stream.indirect.scatter.add.f32 [tilespmem:s2], [sflag:$0x2], $0x10, s3, s5, $0xb8;
	[tilespmem:$0x11800] =	vst v63  }
0xdd: {  	s10 =	simm.s32 $0x8E00  }
0xde: {  	[spmem:s6] =	stream.indirect.scatter.add.f32 [tilespmem:s7], [sflag:$0x2], $0x10, s10, s5, $0xb8;
	[tilespmem:$0x11800] =	vst v63  }
0xdf: {  	s14 =	simm.s32 $0x8E80  }
0xe0: {  	[spmem:s6] =	stream.indirect.scatter.add.f32 [tilespmem:s20], [sflag:$0x2], $0x10, s14, s5, $0xb8;
	[tilespmem:$0x11800] =	vst v63  }
0xe1: {  	_ = 	snop  }
0xe2: {  	[spmem:s6] =	stream.indirect.scatter.add.f32 [tilespmem:s24], [sflag:$0x2], $0x10, s18, s5, $0xb8;
	[tilespmem:$0x11800] =	vst v63  }
0xe3: {  	_ = 	snop  }
0xe4: {  	[spmem:s6] =	stream.indirect.scatter.add.f32 [tilespmem:s29], [sflag:$0x2], $0x10, s22, s5, $0xb8;
	[tilespmem:$0x11800] =	vst v63  }
0xe5: {  	_ =	swait.ge [sflag:s19], $0x800  }
0xe6: {  	[sflag:s19] =	ssyncset.done $0x0  }
0xe7: {  	[sflag:s19] =	ssyncadd.s32 $0xFFFFF800  }
0xe8: {  	_ =	swait.ge [sflag:s19], $0x800  }
0xe9: {  	[sflag:s19] =	ssyncset.done $0x0  }
0xea: {  	[sflag:s19] =	ssyncadd.s32 $0xFFFFF800  }
0xeb: {  	_ =	swait.ge [sflag:s19], $0x800  }
0xec: {  	[sflag:s19] =	ssyncset.done $0x0  }
0xed: {  	[sflag:s19] =	ssyncadd.s32 $0xFFFFF800  }
0xee: {  	_ =	swait.ge [sflag:s19], $0x800  }
0xef: {  	[sflag:s19] =	ssyncset.done $0x0  }
0xf0: {  	[sflag:s19] =	ssyncadd.s32 $0xFFFFF800  }
0xf1: {  	_ =	swait.ge [sflag:s19], $0x800  }
0xf2: {  	[sflag:s19] =	ssyncset.done $0x0  }
0xf3: {  	[sflag:s19] =	ssyncadd.s32 $0xFFFFF800  }
0xf4: {  	_ =	swait.ge [sflag:s19], $0x800  }
0xf5: {  	[sflag:s19] =	ssyncset.done $0x0  }
0xf6: {  	[sflag:s19] =	ssyncadd.s32 $0xFFFFF800  }
0xf7: {  	_ =	swait.ge [sflag:s19], $0x800  }
0xf8: {  	[sflag:s19] =	ssyncset.done $0x0  }
0xf9: {  	[sflag:s19] =	ssyncadd.s32 $0xFFFFF800  }
0xfa: {  	_ =	swait.ge [sflag:s19], $0x800  }
0xfb: {  	[sflag:s19] =	ssyncset.done $0x0  }
0xfc: {  	[sflag:s19] =	ssyncadd.s32 $0xFFFFF800  }
0xfd: {  	_ =	swait.ge [sflag:s19], $0x800  }
0xfe: {  	[sflag:s19] =	ssyncset.done $0x0  }
0xff: {  	[sflag:s19] =	ssyncadd.s32 $0xFFFFF800  }
0x100: {  	_ =	swait.ge [sflag:s19], $0x800  }
0x101: {  	[sflag:s19] =	ssyncset.done $0x0  }
0x102: {  	[sflag:s19] =	ssyncadd.s32 $0xFFFFF800  }
0x103: {  	_ =	swait.ge [sflag:s19], $0x800  }
0x104: {  	[sflag:s19] =	ssyncset.done $0x0  }
0x105: {  	[sflag:s19] =	ssyncadd.s32 $0xFFFFF800  }
0x106: {  	_ =	swait.ge [sflag:s19], $0x800  }
0x107: {  	[sflag:s19] =	ssyncset.done $0x0  }
0x108: {  	[sflag:s19] =	ssyncadd.s32 $0xFFFFF800  }
0x109: {  	_ =	swait.ge [sflag:s19], $0x800  }
0x10a: {  	[sflag:s19] =	ssyncset.done $0x0  }
0x10b: {  	[sflag:s19] =	ssyncadd.s32 $0xFFFFF800  }
0x10c: {  	_ =	swait.ge [sflag:s19], $0x800  }
0x10d: {  	[sflag:s19] =	ssyncset.done $0x0  }
0x10e: {  	s12 =	sadd.s32 $0x1, s12;
	[sflag:s19] =	ssyncadd.s32 $0xFFFFF800  }
0x10f: {  	p0 =	sne.s32 s12, $0x29;
	_ =	swait.ge [sflag:s19], $0x800  }
.Ltmp2:
0x110: {  	[sflag:s19] =	ssyncset.done $0x0;
	(pc) =	sbr.rel @p0 .LBB2_4-.Ltmp2, $4  }
0x111: {  	[sflag:s19] =	ssyncadd.s32 $0xFFFFF800  }
0x112: {  	_ =	swait.ge [sflag:s19], $0x800  }
0x113: {  	[sflag:s19] =	ssyncset.done $0x0  }
0x114: {  	[sflag:s19] =	ssyncadd.s32 $0xFFFFF800  }
0x115: {  	[bflag:$0x0] =	sbarrier.arrive $0xFFFF  }
0x116: {  	s12 =	rddreg [dreg:$0xa]  }
0x117: {  	s10 =	rddreg [dreg:$0x9]  }
0x118: {  	s14 =	simm.s32 $0x3;
	s3 =	rddreg [dreg:$0xb];
	s1 =	sshrl.u32 s12, $0x3  }
0x119: {  	[hbm:s3], [sflag:s10] =	dma.local [spmem:s1], $0x800  }
0x11a: {  	_ =	swait.ge [sflag:s14], $0x800  }
0x11b: {  	s1 =	rddreg [dreg:$0xe]  }
0x11c: {  	s3 =	sadd.s32 $0x1, s1;
	s1 =	rddreg [dreg:$0xc]  }
0x11d: {  	p0 =	sne.s32 s3, s1  }
.Ltmp3:
0x11e: {  	_ = 	snop;
	(pc) =	sbr.rel @p0 .LBB2_1-.Ltmp3, $3  }
0x11f: {  	_ =	sdelay $0x1  }
0x120: {  	[sflag:s14] =	ssyncset.done $0x0  }
0x121: {  	[sflag:s14] =	ssyncadd.s32 $0xFFFFF800  }
0x122: {  	_ =	sfence.sel $0x180000  }
0x123: {  	[bflag:$0x0] =	sbarrier.arrive $0xFFFF  }
0x124: {  	_ =	strace $0x90000047  }
0x125: {  	s0 =	stileid.u32;
	[bflag:$0x2] =	sbarrier.arrive $0xFFFF  }
0x126: {  	p0 =	sne.s32 s0, $0x0;
	s0 =	rddreg [dreg:$0x7]  }
0x127: {  	s0 =	sadd.s32 @!p0 $0x100000, s0  }
0x128: {  	[sflag:s0] =	ssyncadd.tile.s32 @!p0 $0x1;
	_ =	shalt  }
.Lfunc_end2:
_tile_overlayer_lowered:
.L_overlay_start_2:
0x129: {  	(tag) =	ssettag $0x2  }
0x12a: {  	s0 =	rddreg [dreg:$0x0];
	s2 =	stileid.u32  }
0x12b: {  	s1 =	rddreg [dreg:$0x1];
	p0 =	sne.s32 s2, $0x0  }
0x12c: {  	s3 =	rddreg [dreg:$0x2];
	[bflag:$0x3] =	sbarrier.arrive $0xFFFF;
	s2 =	simm.s32 @!p0 $0x1C03  }
0x12d: {  	[timem:s3], [sflag:s2] =	dma.local @!p0 [hbm:s0], s1  }
0x12e: {  	s0 =	simm.s32 @!p0 $0x3  }
0x12f: {  	_ =	swait.ge @!p0 [sflag:s0], s1  }
0x130: {  	s1 =	ssub.s32 @!p0 $0x0, s1;
	[sflag:s0] =	ssyncset.done @!p0 $0x0  }
0x131: {  	[sflag:s0] =	ssyncadd.s32 @!p0 s1  }
0x132: {  	[bflag:$0x3] =	sbarrier.arrive $0xFFFF  }
0x133: {  	_ =	shalt  }

</sc_bundles>
